<compile_context>
chip_gen: v7x
topology: tpu7x:2x2x1
jax: 0.10.2.dev20260603
libtpu: 0.0.44.dev20260713+nightly
codegen_flags: <defaults>
</compile_context>

<pallas_src>
import functools

import jax
import jax.numpy as jnp
from jax import lax
from jax.experimental import pallas as pl
from jax.experimental.pallas import tpu as pltpu
from jax.experimental.pallas import tpu_sc as plsc

BATCH = 16384
EMBED_DIM = 64
NUM_FEATURES = 128
NUM_GENES = 100000
NUM_DISEASES = 1000
HID = 128

NUM_CORES = 2
NUM_SUBCORES = 16
NUM_WORKERS = NUM_CORES * NUM_SUBCORES
B_PER_W = BATCH // NUM_WORKERS
IDX_CHUNK = 128
N_CHUNKS = B_PER_W // IDX_CHUNK

GBLK = 8192
N_GBLK = -(-NUM_GENES // GBLK)


def _pg_body(tT_ref, w_ref, out_ref):
    out_ref[...] = lax.dot_general(
        tT_ref[...], w_ref[...],
        dimension_numbers=(((0,), (0,)), ((), ())),
        preferred_element_type=jnp.float32)


def _pd_body(tT_ref, w_ref, b_ref, out_ref):
    out_ref[...] = lax.dot_general(
        tT_ref[...], w_ref[...],
        dimension_numbers=(((0,), (0,)), ((), ())),
        preferred_element_type=jnp.float32) + b_ref[...]


def _build_products(gene_table, disease_table, W1, b1):
    gT = jnp.transpose(gene_table)
    dT = jnp.transpose(disease_table)
    w1g = W1[:EMBED_DIM]
    w1d = W1[EMBED_DIM:2 * EMBED_DIM]
    pg = pl.pallas_call(
        _pg_body,
        grid=(N_GBLK,),
        in_specs=[
            pl.BlockSpec((EMBED_DIM, GBLK), lambda i: (0, i)),
            pl.BlockSpec((EMBED_DIM, HID), lambda i: (0, 0)),
        ],
        out_specs=pl.BlockSpec((GBLK, HID), lambda i: (i, 0)),
        out_shape=jax.ShapeDtypeStruct((NUM_GENES, HID), jnp.float32),
    )(gT, w1g)
    pd = pl.pallas_call(
        _pd_body,
        out_shape=jax.ShapeDtypeStruct((NUM_DISEASES, HID), jnp.float32),
    )(dT, w1d, b1)
    return pg, pd


def _gather_body(pg_tab, pd_tab, gid_hbm, did_hbm, pre_out, idx_g, idx_d,
                 rows, semg, semd, semw):
    wid = lax.axis_index("s") * NUM_CORES + lax.axis_index("c")
    base = wid * B_PER_W
    pltpu.sync_copy(gid_hbm.at[wid], idx_g)
    pltpu.sync_copy(did_hbm.at[wid], idx_d)
    gcopies = [pltpu.async_copy(
        pg_tab.at[idx_g.at[j]],
        rows.at[pl.ds(j * IDX_CHUNK, IDX_CHUNK)], semg)
        for j in range(N_CHUNKS)]
    dcopies = []
    wcopies = []
    for j in range(N_CHUNKS):
        gcopies[j].wait()
        dcopies.append(pltpu.async_copy(
            pd_tab.at[idx_d.at[j]],
            rows.at[pl.ds(j * IDX_CHUNK, IDX_CHUNK)], semd, add=True))
        if j > 0:
            dcopies[j - 1].wait()
            wcopies.append(pltpu.async_copy(
                rows.at[pl.ds((j - 1) * IDX_CHUNK, IDX_CHUNK)],
                pre_out.at[pl.ds(base + (j - 1) * IDX_CHUNK, IDX_CHUNK)],
                semw))
    dcopies[N_CHUNKS - 1].wait()
    wcopies.append(pltpu.async_copy(
        rows.at[pl.ds((N_CHUNKS - 1) * IDX_CHUNK, IDX_CHUNK)],
        pre_out.at[pl.ds(base + (N_CHUNKS - 1) * IDX_CHUNK, IDX_CHUNK)],
        semw))
    for c in wcopies:
        c.wait()


def _sc_gather(pg, pd, gid, did):
    mesh = plsc.VectorSubcoreMesh(core_axis_name="c", subcore_axis_name="s")
    out_type = jax.ShapeDtypeStruct((BATCH, HID), jnp.float32)
    scratch = [
        pltpu.VMEM((N_CHUNKS, IDX_CHUNK), jnp.int32),
        pltpu.VMEM((N_CHUNKS, IDX_CHUNK), jnp.int32),
        pltpu.VMEM((B_PER_W, HID), jnp.float32),
        pltpu.SemaphoreType.DMA,
        pltpu.SemaphoreType.DMA,
        pltpu.SemaphoreType.DMA,
    ]
    run = pl.kernel(_gather_body, out_type=out_type, mesh=mesh,
                    scratch_types=scratch)
    return run(pg, pd, gid, did)


BLK = 2048
N_BLK = BATCH // BLK


def _mlp_body(pre_ref, x_ref, w1x_ref, gamma_ref, beta_ref, w2_ref, b2_ref,
              w3_ref, b3_ref, out_ref, h_ref, stats_ref):
    s = pl.program_id(0)
    i = s % N_BLK

    @pl.when(s < N_BLK)
    def _phase1():
        h = pre_ref[...] + jnp.dot(x_ref[...], w1x_ref[...],
                                   preferred_element_type=jnp.float32)
        h_ref[pl.ds(i * BLK, BLK), :] = h
        part = jnp.concatenate(
            [jnp.sum(h, axis=0, keepdims=True),
             jnp.sum(h * h, axis=0, keepdims=True)], axis=0)

        @pl.when(s == 0)
        def _():
            stats_ref[...] = part

        @pl.when(s != 0)
        def _():
            stats_ref[...] += part

    @pl.when(s >= N_BLK)
    def _phase2():
        inv_n = 1.0 / BATCH
        mean = stats_ref[0:1, :] * inv_n
        var = stats_ref[1:2, :] * inv_n - mean * mean
        scale = lax.rsqrt(var + 1e-5) * gamma_ref[...]
        shift = beta_ref[...] - mean * scale
        h = jnp.maximum(h_ref[pl.ds(i * BLK, BLK), :] * scale + shift, 0.0)
        h2 = jnp.maximum(
            jnp.dot(h, w2_ref[...], preferred_element_type=jnp.float32)
            + b2_ref[...], 0.0)
        z = (jnp.dot(h2, w3_ref[...], preferred_element_type=jnp.float32)
             + b3_ref[...])
        out_ref[...] = jax.nn.sigmoid(z).reshape((BLK,))


def _tc_mlp(pre, x, w1x, gamma, beta, w2, b2, w3, b3):
    row_blk = lambda s: (jnp.where(s < N_BLK, s, 0), 0)
    fixed = lambda s: (0, 0)
    return pl.pallas_call(
        _mlp_body,
        grid=(2 * N_BLK,),
        in_specs=[
            pl.BlockSpec((BLK, HID), row_blk),
            pl.BlockSpec((BLK, NUM_FEATURES), row_blk),
            pl.BlockSpec((NUM_FEATURES, HID), fixed),
            pl.BlockSpec((1, HID), fixed),
            pl.BlockSpec((1, HID), fixed),
            pl.BlockSpec((HID, 64), fixed),
            pl.BlockSpec((1, 64), fixed),
            pl.BlockSpec((64, 1), fixed),
            pl.BlockSpec((1, 1), fixed),
        ],
        out_specs=pl.BlockSpec((BLK,), lambda s: (s % N_BLK,)),
        out_shape=jax.ShapeDtypeStruct((BATCH,), jnp.float32),
        scratch_shapes=[
            pltpu.VMEM((BATCH, HID), jnp.float32),
            pltpu.VMEM((2, HID), jnp.float32),
        ],
    )(pre, x, w1x, gamma, beta, w2, b2, w3, b3).reshape(BATCH, 1)


def kernel(gene_id, disease_id, explicit_features, gene_table, disease_table,
           W1, b1, gamma, beta, W2, b2, W3, b3):
    gid = gene_id.astype(jnp.int32).reshape(NUM_WORKERS, N_CHUNKS, IDX_CHUNK)
    did = disease_id.astype(jnp.int32).reshape(NUM_WORKERS, N_CHUNKS, IDX_CHUNK)
    pg, pd = _build_products(gene_table, disease_table, W1,
                             b1.reshape(1, -1))
    pre = _sc_gather(pg, pd, gid, did)
    w1x = W1[2 * EMBED_DIM:]
    return _tc_mlp(pre, explicit_features, w1x,
                   gamma.reshape(1, -1), beta.reshape(1, -1),
                   W2, b2.reshape(1, -1), W3, b3.reshape(1, -1))

# --- scband reference (transcript-rebuilt; emitter-appended) ---
"""Pipeline reference for scband-gene-disease-predictor-28982439313836 (READ-ONLY COPY).

The authoritative reference and input builder live on the scoring server;
editing this copy changes nothing except your own understanding.
"""

import jax, jax.numpy as jnp
import numpy as np

NUM_GENES = 100000
NUM_DISEASES = 1000
NUM_FEATURES = 128
EMBED_DIM = 64
BATCH = 16384
INPUT_DIM = EMBED_DIM * 2 + NUM_FEATURES  # 256


def setup_inputs(seed: int = 0) -> dict:
    key = jax.random.key(seed)
    ks = jax.random.split(key, 16)
    gene_id = jax.random.randint(ks[0], (BATCH,), 0, NUM_GENES, dtype=jnp.int64 if jax.config.jax_enable_x64 else jnp.int32)
    disease_id = jax.random.randint(ks[1], (BATCH,), 0, NUM_DISEASES, dtype=jnp.int64 if jax.config.jax_enable_x64 else jnp.int32)
    explicit_features = jax.random.normal(ks[2], (BATCH, NUM_FEATURES), dtype=jnp.float32)
    gene_table = jax.random.normal(ks[3], (NUM_GENES, EMBED_DIM), dtype=jnp.float32) * 0.02
    disease_table = jax.random.normal(ks[4], (NUM_DISEASES, EMBED_DIM), dtype=jnp.float32) * 0.02
    W1 = jax.random.normal(ks[5], (INPUT_DIM, 128), dtype=jnp.float32) * (1.0 / np.sqrt(INPUT_DIM))
    b1 = jnp.zeros((128,), dtype=jnp.float32)
    gamma = jnp.ones((128,), dtype=jnp.float32)
    beta = jnp.zeros((128,), dtype=jnp.float32)
    W2 = jax.random.normal(ks[6], (128, 64), dtype=jnp.float32) * (1.0 / np.sqrt(128))
    b2 = jnp.zeros((64,), dtype=jnp.float32)
    W3 = jax.random.normal(ks[7], (64, 1), dtype=jnp.float32) * (1.0 / np.sqrt(64))
    b3 = jnp.zeros((1,), dtype=jnp.float32)
    return {"gene_id": gene_id, "disease_id": disease_id, "explicit_features": explicit_features,
            "gene_table": gene_table, "disease_table": disease_table,
            "W1": W1, "b1": b1, "gamma": gamma, "beta": beta,
            "W2": W2, "b2": b2, "W3": W3, "b3": b3}


def reference(gene_id, disease_id, explicit_features, gene_table, disease_table,
              W1, b1, gamma, beta, W2, b2, W3, b3):
    # embedding lookups (SparseCore gather)
    g_emb = jnp.take(gene_table, gene_id, axis=0)
    d_emb = jnp.take(disease_table, disease_id, axis=0)
    combined = jnp.concatenate([g_emb, d_emb, explicit_features], axis=1)
    # Linear(input_dim, 128)
    h = combined @ W1 + b1
    # BatchNorm1d(128) in training mode: batch statistics
    mean = jnp.mean(h, axis=0, keepdims=True)
    var = jnp.var(h, axis=0, keepdims=True)
    h = (h - mean) / jnp.sqrt(var + 1e-5) * gamma + beta
    # ReLU; Dropout is identity in eval/deterministic reference
    h = jax.nn.relu(h)
    # Linear(128, 64) + ReLU
    h = jax.nn.relu(h @ W2 + b2)
    # Linear(64, 1) + Sigmoid
    out = jax.nn.sigmoid(h @ W3 + b3)
    return out

if __name__ == "__main__":
    import jax
    _d = setup_inputs()
    print(jax.jit(kernel)(*tuple(_d.values())))

</pallas_src>

<mosaic_0001>
#map = affine_map<(d0, d1) -> (0, 0)>
#map1 = affine_map<(d0, d1) -> (0, 0, 0)>
module attributes {stable_mosaic.version = 14 : i64} {
  func.func @_gather_body(%arg0: i32, %arg1: i32, %arg2: memref<100000x128xf32, #tpu.memory_space<hbm>>, %arg3: memref<1000x128xf32, #tpu.memory_space<hbm>>, %arg4: memref<32x4x128xi32, #tpu.memory_space<hbm>>, %arg5: memref<32x4x128xi32, #tpu.memory_space<hbm>>, %arg6: memref<16384x128xf32, #tpu.memory_space<hbm>>, %arg7: memref<4x128xi32, #tpu.memory_space<vmem>>, %arg8: memref<4x128xi32, #tpu.memory_space<vmem>>, %arg9: memref<512x128xf32, #tpu.memory_space<vmem>>, %arg10: memref<!tpu.dma_semaphore, #tpu.memory_space<semaphore_mem>>, %arg11: memref<!tpu.dma_semaphore, #tpu.memory_space<semaphore_mem>>, %arg12: memref<!tpu.dma_semaphore, #tpu.memory_space<semaphore_mem>>) attributes {dimension_semantics = [#tpu.dimension_semantics<core_parallel>, #tpu.dimension_semantics<subcore_parallel>], iteration_bounds = array<i64: 2, 16>, scalar_prefetch = 0 : i64, scratch_operands = 6 : i64, tpu.core_type = #tpu.core_type<sc_vector_subcore>, window_params = [{transform_indices = #map}, {transform_indices = #map}, {transform_indices = #map1}, {transform_indices = #map1}, {transform_indices = #map}]} {
    %mul3A = arith.constant 2 : i32
    %mul3A_0 = arith.muli %arg1, %mul3A : i32
    %add3A = arith.addi %mul3A_0, %arg0 : i32
    %mul3A_1 = arith.constant 512 : i32
    %mul3A_2 = arith.muli %add3A, %mul3A_1 : i32
    "tpu.region"() ({
      %run_scoped3A = tpu.sem_alloc : memref<!tpu.dma_semaphore, #tpu.memory_space<semaphore_mem>>
      %dma_start3A_249 = arith.constant 0 : i32
      %dma_start3A_250 = arith.constant 0 : i32
      %dma_start3A_251 = tpu.memref_slice %arg4[%add3A, %dma_start3A_249, %dma_start3A_250] : memref<32x4x128xi32, #tpu.memory_space<hbm>> -> memref<1x4x128xi32, #tpu.memory_space<hbm>>
      %dma_start3A_252 = tpu.memref_squeeze %dma_start3A_251 : memref<1x4x128xi32, #tpu.memory_space<hbm>> -> memref<4x128xi32, #tpu.memory_space<hbm>>
      %dma_start3A_253 = arith.constant 0 : i32
      %dma_start3A_254 = arith.constant 0 : i32
      %dma_start3A_255 = tpu.memref_slice %arg4[%add3A, %dma_start3A_253, %dma_start3A_254] : memref<32x4x128xi32, #tpu.memory_space<hbm>> -> memref<1x4x128xi32, #tpu.memory_space<hbm>>
      %dma_start3A_256 = tpu.memref_squeeze %dma_start3A_255 : memref<1x4x128xi32, #tpu.memory_space<hbm>> -> memref<4x128xi32, #tpu.memory_space<hbm>>
      tpu.enqueue_dma source(%dma_start3A_256 : memref<4x128xi32, #tpu.memory_space<hbm>>) target(%arg7 : memref<4x128xi32, #tpu.memory_space<vmem>>) target_semaphore(%run_scoped3A : memref<!tpu.dma_semaphore, #tpu.memory_space<semaphore_mem>>)
      %dma_wait3A_257 = arith.constant 0 : i32
      %dma_wait3A_258 = arith.constant 0 : i32
      %dma_wait3A_259 = tpu.memref_slice %arg4[%add3A, %dma_wait3A_257, %dma_wait3A_258] : memref<32x4x128xi32, #tpu.memory_space<hbm>> -> memref<1x4x128xi32, #tpu.memory_space<hbm>>
      %dma_wait3A_260 = tpu.memref_squeeze %dma_wait3A_259 : memref<1x4x128xi32, #tpu.memory_space<hbm>> -> memref<4x128xi32, #tpu.memory_space<hbm>>
      %dma_wait3A_261 = arith.constant 0 : i32
      %dma_wait3A_262 = arith.constant 0 : i32
      %dma_wait3A_263 = tpu.memref_slice %arg4[%add3A, %dma_wait3A_261, %dma_wait3A_262] : memref<32x4x128xi32, #tpu.memory_space<hbm>> -> memref<1x4x128xi32, #tpu.memory_space<hbm>>
      %dma_wait3A_264 = tpu.memref_squeeze %dma_wait3A_263 : memref<1x4x128xi32, #tpu.memory_space<hbm>> -> memref<4x128xi32, #tpu.memory_space<hbm>>
      tpu.wait_dma2 semaphore(%run_scoped3A : memref<!tpu.dma_semaphore, #tpu.memory_space<semaphore_mem>>) src(%dma_wait3A_264 : memref<4x128xi32, #tpu.memory_space<hbm>>) dst(%arg7 : memref<4x128xi32, #tpu.memory_space<vmem>>)
      tpu.yield
    }) : () -> ()
    "tpu.region"() ({
      %run_scoped3A = tpu.sem_alloc : memref<!tpu.dma_semaphore, #tpu.memory_space<semaphore_mem>>
      %dma_start3A_249 = arith.constant 0 : i32
      %dma_start3A_250 = arith.constant 0 : i32
      %dma_start3A_251 = tpu.memref_slice %arg5[%add3A, %dma_start3A_249, %dma_start3A_250] : memref<32x4x128xi32, #tpu.memory_space<hbm>> -> memref<1x4x128xi32, #tpu.memory_space<hbm>>
      %dma_start3A_252 = tpu.memref_squeeze %dma_start3A_251 : memref<1x4x128xi32, #tpu.memory_space<hbm>> -> memref<4x128xi32, #tpu.memory_space<hbm>>
      %dma_start3A_253 = arith.constant 0 : i32
      %dma_start3A_254 = arith.constant 0 : i32
      %dma_start3A_255 = tpu.memref_slice %arg5[%add3A, %dma_start3A_253, %dma_start3A_254] : memref<32x4x128xi32, #tpu.memory_space<hbm>> -> memref<1x4x128xi32, #tpu.memory_space<hbm>>
      %dma_start3A_256 = tpu.memref_squeeze %dma_start3A_255 : memref<1x4x128xi32, #tpu.memory_space<hbm>> -> memref<4x128xi32, #tpu.memory_space<hbm>>
      tpu.enqueue_dma source(%dma_start3A_256 : memref<4x128xi32, #tpu.memory_space<hbm>>) target(%arg8 : memref<4x128xi32, #tpu.memory_space<vmem>>) target_semaphore(%run_scoped3A : memref<!tpu.dma_semaphore, #tpu.memory_space<semaphore_mem>>)
      %dma_wait3A_257 = arith.constant 0 : i32
      %dma_wait3A_258 = arith.constant 0 : i32
      %dma_wait3A_259 = tpu.memref_slice %arg5[%add3A, %dma_wait3A_257, %dma_wait3A_258] : memref<32x4x128xi32, #tpu.memory_space<hbm>> -> memref<1x4x128xi32, #tpu.memory_space<hbm>>
      %dma_wait3A_260 = tpu.memref_squeeze %dma_wait3A_259 : memref<1x4x128xi32, #tpu.memory_space<hbm>> -> memref<4x128xi32, #tpu.memory_space<hbm>>
      %dma_wait3A_261 = arith.constant 0 : i32
      %dma_wait3A_262 = arith.constant 0 : i32
      %dma_wait3A_263 = tpu.memref_slice %arg5[%add3A, %dma_wait3A_261, %dma_wait3A_262] : memref<32x4x128xi32, #tpu.memory_space<hbm>> -> memref<1x4x128xi32, #tpu.memory_space<hbm>>
      %dma_wait3A_264 = tpu.memref_squeeze %dma_wait3A_263 : memref<1x4x128xi32, #tpu.memory_space<hbm>> -> memref<4x128xi32, #tpu.memory_space<hbm>>
      tpu.wait_dma2 semaphore(%run_scoped3A : memref<!tpu.dma_semaphore, #tpu.memory_space<semaphore_mem>>) src(%dma_wait3A_264 : memref<4x128xi32, #tpu.memory_space<hbm>>) dst(%arg8 : memref<4x128xi32, #tpu.memory_space<vmem>>)
      tpu.yield
    }) : () -> ()
    %dma_start3A = arith.constant 0 : i32
    %dma_start3A_3 = arith.constant 0 : i32
    %dma_start3A_4 = arith.constant 0 : i32
    %dma_start3A_5 = tpu.memref_slice %arg9[%dma_start3A_3, %dma_start3A_4] : memref<512x128xf32, #tpu.memory_space<vmem>> -> memref<128x128xf32, #tpu.memory_space<vmem>>
    %dma_start3A_6 = arith.constant 0 : i32
    %dma_start3A_7 = tpu.memref_slice %arg7[%dma_start3A, %dma_start3A_6] : memref<4x128xi32, #tpu.memory_space<vmem>> -> memref<1x128xi32, #tpu.memory_space<vmem>>
    %dma_start3A_8 = tpu.memref_squeeze %dma_start3A_7 : memref<1x128xi32, #tpu.memory_space<vmem>> -> memref<128xi32, #tpu.memory_space<vmem>>
    %dma_start3A_9 = arith.constant 0 : i32
    %dma_start3A_10 = arith.constant 0 : i32
    %dma_start3A_11 = tpu.memref_slice %arg2[%dma_start3A_9, %dma_start3A_10] : memref<100000x128xf32, #tpu.memory_space<hbm>> -> memref<100000x128xf32, #tpu.memory_space<hbm>>
    tpu.enqueue_indirect_dma source(%dma_start3A_11 : memref<100000x128xf32, #tpu.memory_space<hbm>>) target(%dma_start3A_5 : memref<128x128xf32, #tpu.memory_space<vmem>>) offsets(%dma_start3A_8 : memref<128xi32, #tpu.memory_space<vmem>>) semaphore(%arg10 : memref<!tpu.dma_semaphore, #tpu.memory_space<semaphore_mem>>)
    %dma_start3A_12 = arith.constant 1 : i32
    %dma_start3A_13 = arith.constant 128 : i32
    %dma_start3A_14 = arith.constant 0 : i32
    %dma_start3A_15 = tpu.memref_slice %arg9[%dma_start3A_13, %dma_start3A_14] : memref<512x128xf32, #tpu.memory_space<vmem>> -> memref<128x128xf32, #tpu.memory_space<vmem>>
    %dma_start3A_16 = arith.constant 0 : i32
    %dma_start3A_17 = tpu.memref_slice %arg7[%dma_start3A_12, %dma_start3A_16] : memref<4x128xi32, #tpu.memory_space<vmem>> -> memref<1x128xi32, #tpu.memory_space<vmem>>
    %dma_start3A_18 = tpu.memref_squeeze %dma_start3A_17 : memref<1x128xi32, #tpu.memory_space<vmem>> -> memref<128xi32, #tpu.memory_space<vmem>>
    %dma_start3A_19 = arith.constant 0 : i32
    %dma_start3A_20 = arith.constant 0 : i32
    %dma_start3A_21 = tpu.memref_slice %arg2[%dma_start3A_19, %dma_start3A_20] : memref<100000x128xf32, #tpu.memory_space<hbm>> -> memref<100000x128xf32, #tpu.memory_space<hbm>>
    tpu.enqueue_indirect_dma source(%dma_start3A_21 : memref<100000x128xf32, #tpu.memory_space<hbm>>) target(%dma_start3A_15 : memref<128x128xf32, #tpu.memory_space<vmem>>) offsets(%dma_start3A_18 : memref<128xi32, #tpu.memory_space<vmem>>) semaphore(%arg10 : memref<!tpu.dma_semaphore, #tpu.memory_space<semaphore_mem>>)
    %dma_start3A_22 = arith.constant 2 : i32
    %dma_start3A_23 = arith.constant 256 : i32
    %dma_start3A_24 = arith.constant 0 : i32
    %dma_start3A_25 = tpu.memref_slice %arg9[%dma_start3A_23, %dma_start3A_24] : memref<512x128xf32, #tpu.memory_space<vmem>> -> memref<128x128xf32, #tpu.memory_space<vmem>>
    %dma_start3A_26 = arith.constant 0 : i32
    %dma_start3A_27 = tpu.memref_slice %arg7[%dma_start3A_22, %dma_start3A_26] : memref<4x128xi32, #tpu.memory_space<vmem>> -> memref<1x128xi32, #tpu.memory_space<vmem>>
    %dma_start3A_28 = tpu.memref_squeeze %dma_start3A_27 : memref<1x128xi32, #tpu.memory_space<vmem>> -> memref<128xi32, #tpu.memory_space<vmem>>
    %dma_start3A_29 = arith.constant 0 : i32
    %dma_start3A_30 = arith.constant 0 : i32
    %dma_start3A_31 = tpu.memref_slice %arg2[%dma_start3A_29, %dma_start3A_30] : memref<100000x128xf32, #tpu.memory_space<hbm>> -> memref<100000x128xf32, #tpu.memory_space<hbm>>
    tpu.enqueue_indirect_dma source(%dma_start3A_31 : memref<100000x128xf32, #tpu.memory_space<hbm>>) target(%dma_start3A_25 : memref<128x128xf32, #tpu.memory_space<vmem>>) offsets(%dma_start3A_28 : memref<128xi32, #tpu.memory_space<vmem>>) semaphore(%arg10 : memref<!tpu.dma_semaphore, #tpu.memory_space<semaphore_mem>>)
    %dma_start3A_32 = arith.constant 3 : i32
    %dma_start3A_33 = arith.constant 384 : i32
    %dma_start3A_34 = arith.constant 0 : i32
    %dma_start3A_35 = tpu.memref_slice %arg9[%dma_start3A_33, %dma_start3A_34] : memref<512x128xf32, #tpu.memory_space<vmem>> -> memref<128x128xf32, #tpu.memory_space<vmem>>
    %dma_start3A_36 = arith.constant 0 : i32
    %dma_start3A_37 = tpu.memref_slice %arg7[%dma_start3A_32, %dma_start3A_36] : memref<4x128xi32, #tpu.memory_space<vmem>> -> memref<1x128xi32, #tpu.memory_space<vmem>>
    %dma_start3A_38 = tpu.memref_squeeze %dma_start3A_37 : memref<1x128xi32, #tpu.memory_space<vmem>> -> memref<128xi32, #tpu.memory_space<vmem>>
    %dma_start3A_39 = arith.constant 0 : i32
    %dma_start3A_40 = arith.constant 0 : i32
    %dma_start3A_41 = tpu.memref_slice %arg2[%dma_start3A_39, %dma_start3A_40] : memref<100000x128xf32, #tpu.memory_space<hbm>> -> memref<100000x128xf32, #tpu.memory_space<hbm>>
    tpu.enqueue_indirect_dma source(%dma_start3A_41 : memref<100000x128xf32, #tpu.memory_space<hbm>>) target(%dma_start3A_35 : memref<128x128xf32, #tpu.memory_space<vmem>>) offsets(%dma_start3A_38 : memref<128xi32, #tpu.memory_space<vmem>>) semaphore(%arg10 : memref<!tpu.dma_semaphore, #tpu.memory_space<semaphore_mem>>)
    %dma_wait3A = arith.constant 0 : i32
    %dma_wait3A_42 = arith.constant 0 : i32
    %dma_wait3A_43 = arith.constant 0 : i32
    %dma_wait3A_44 = tpu.memref_slice %arg9[%dma_wait3A_42, %dma_wait3A_43] : memref<512x128xf32, #tpu.memory_space<vmem>> -> memref<128x128xf32, #tpu.memory_space<vmem>>
    %dma_wait3A_45 = arith.constant 0 : i32
    %dma_wait3A_46 = tpu.memref_slice %arg7[%dma_wait3A, %dma_wait3A_45] : memref<4x128xi32, #tpu.memory_space<vmem>> -> memref<1x128xi32, #tpu.memory_space<vmem>>
    %dma_wait3A_47 = tpu.memref_squeeze %dma_wait3A_46 : memref<1x128xi32, #tpu.memory_space<vmem>> -> memref<128xi32, #tpu.memory_space<vmem>>
    %dma_wait3A_48 = arith.constant 0 : i32
    %dma_wait3A_49 = arith.constant 0 : i32
    %dma_wait3A_50 = tpu.memref_slice %arg2[%dma_wait3A_48, %dma_wait3A_49] : memref<100000x128xf32, #tpu.memory_space<hbm>> -> memref<100000x128xf32, #tpu.memory_space<hbm>>
    tpu.wait_indirect_dma semaphore(%arg10 : memref<!tpu.dma_semaphore, #tpu.memory_space<semaphore_mem>>) src(%dma_wait3A_50 : memref<100000x128xf32, #tpu.memory_space<hbm>>) dst(%dma_wait3A_44 : memref<128x128xf32, #tpu.memory_space<vmem>>)
    %dma_start3A_51 = arith.constant 0 : i32
    %dma_start3A_52 = arith.constant 0 : i32
    %dma_start3A_53 = arith.constant 0 : i32
    %dma_start3A_54 = tpu.memref_slice %arg9[%dma_start3A_52, %dma_start3A_53] : memref<512x128xf32, #tpu.memory_space<vmem>> -> memref<128x128xf32, #tpu.memory_space<vmem>>
    %dma_start3A_55 = arith.constant 0 : i32
    %dma_start3A_56 = tpu.memref_slice %arg8[%dma_start3A_51, %dma_start3A_55] : memref<4x128xi32, #tpu.memory_space<vmem>> -> memref<1x128xi32, #tpu.memory_space<vmem>>
    %dma_start3A_57 = tpu.memref_squeeze %dma_start3A_56 : memref<1x128xi32, #tpu.memory_space<vmem>> -> memref<128xi32, #tpu.memory_space<vmem>>
    %dma_start3A_58 = arith.constant 0 : i32
    %dma_start3A_59 = arith.constant 0 : i32
    %dma_start3A_60 = tpu.memref_slice %arg3[%dma_start3A_58, %dma_start3A_59] : memref<1000x128xf32, #tpu.memory_space<hbm>> -> memref<1000x128xf32, #tpu.memory_space<hbm>>
    tpu.enqueue_indirect_dma source(%dma_start3A_60 : memref<1000x128xf32, #tpu.memory_space<hbm>>) target(%dma_start3A_54 : memref<128x128xf32, #tpu.memory_space<vmem>>) offsets(%dma_start3A_57 : memref<128xi32, #tpu.memory_space<vmem>>) semaphore(%arg11 : memref<!tpu.dma_semaphore, #tpu.memory_space<semaphore_mem>>) {add = true}
    %dma_wait3A_61 = arith.constant 1 : i32
    %dma_wait3A_62 = arith.constant 128 : i32
    %dma_wait3A_63 = arith.constant 0 : i32
    %dma_wait3A_64 = tpu.memref_slice %arg9[%dma_wait3A_62, %dma_wait3A_63] : memref<512x128xf32, #tpu.memory_space<vmem>> -> memref<128x128xf32, #tpu.memory_space<vmem>>
    %dma_wait3A_65 = arith.constant 0 : i32
    %dma_wait3A_66 = tpu.memref_slice %arg7[%dma_wait3A_61, %dma_wait3A_65] : memref<4x128xi32, #tpu.memory_space<vmem>> -> memref<1x128xi32, #tpu.memory_space<vmem>>
    %dma_wait3A_67 = tpu.memref_squeeze %dma_wait3A_66 : memref<1x128xi32, #tpu.memory_space<vmem>> -> memref<128xi32, #tpu.memory_space<vmem>>
    %dma_wait3A_68 = arith.constant 0 : i32
    %dma_wait3A_69 = arith.constant 0 : i32
    %dma_wait3A_70 = tpu.memref_slice %arg2[%dma_wait3A_68, %dma_wait3A_69] : memref<100000x128xf32, #tpu.memory_space<hbm>> -> memref<100000x128xf32, #tpu.memory_space<hbm>>
    tpu.wait_indirect_dma semaphore(%arg10 : memref<!tpu.dma_semaphore, #tpu.memory_space<semaphore_mem>>) src(%dma_wait3A_70 : memref<100000x128xf32, #tpu.memory_space<hbm>>) dst(%dma_wait3A_64 : memref<128x128xf32, #tpu.memory_space<vmem>>)
    %dma_start3A_71 = arith.constant 1 : i32
    %dma_start3A_72 = arith.constant 128 : i32
    %dma_start3A_73 = arith.constant 0 : i32
    %dma_start3A_74 = tpu.memref_slice %arg9[%dma_start3A_72, %dma_start3A_73] : memref<512x128xf32, #tpu.memory_space<vmem>> -> memref<128x128xf32, #tpu.memory_space<vmem>>
    %dma_start3A_75 = arith.constant 0 : i32
    %dma_start3A_76 = tpu.memref_slice %arg8[%dma_start3A_71, %dma_start3A_75] : memref<4x128xi32, #tpu.memory_space<vmem>> -> memref<1x128xi32, #tpu.memory_space<vmem>>
    %dma_start3A_77 = tpu.memref_squeeze %dma_start3A_76 : memref<1x128xi32, #tpu.memory_space<vmem>> -> memref<128xi32, #tpu.memory_space<vmem>>
    %dma_start3A_78 = arith.constant 0 : i32
    %dma_start3A_79 = arith.constant 0 : i32
    %dma_start3A_80 = tpu.memref_slice %arg3[%dma_start3A_78, %dma_start3A_79] : memref<1000x128xf32, #tpu.memory_space<hbm>> -> memref<1000x128xf32, #tpu.memory_space<hbm>>
    tpu.enqueue_indirect_dma source(%dma_start3A_80 : memref<1000x128xf32, #tpu.memory_space<hbm>>) target(%dma_start3A_74 : memref<128x128xf32, #tpu.memory_space<vmem>>) offsets(%dma_start3A_77 : memref<128xi32, #tpu.memory_space<vmem>>) semaphore(%arg11 : memref<!tpu.dma_semaphore, #tpu.memory_space<semaphore_mem>>) {add = true}
    %dma_wait3A_81 = arith.constant 0 : i32
    %dma_wait3A_82 = arith.constant 0 : i32
    %dma_wait3A_83 = arith.constant 0 : i32
    %dma_wait3A_84 = tpu.memref_slice %arg9[%dma_wait3A_82, %dma_wait3A_83] : memref<512x128xf32, #tpu.memory_space<vmem>> -> memref<128x128xf32, #tpu.memory_space<vmem>>
    %dma_wait3A_85 = arith.constant 0 : i32
    %dma_wait3A_86 = tpu.memref_slice %arg8[%dma_wait3A_81, %dma_wait3A_85] : memref<4x128xi32, #tpu.memory_space<vmem>> -> memref<1x128xi32, #tpu.memory_space<vmem>>
    %dma_wait3A_87 = tpu.memref_squeeze %dma_wait3A_86 : memref<1x128xi32, #tpu.memory_space<vmem>> -> memref<128xi32, #tpu.memory_space<vmem>>
    %dma_wait3A_88 = arith.constant 0 : i32
    %dma_wait3A_89 = arith.constant 0 : i32
    %dma_wait3A_90 = tpu.memref_slice %arg3[%dma_wait3A_88, %dma_wait3A_89] : memref<1000x128xf32, #tpu.memory_space<hbm>> -> memref<1000x128xf32, #tpu.memory_space<hbm>>
    tpu.wait_indirect_dma semaphore(%arg11 : memref<!tpu.dma_semaphore, #tpu.memory_space<semaphore_mem>>) src(%dma_wait3A_90 : memref<1000x128xf32, #tpu.memory_space<hbm>>) dst(%dma_wait3A_84 : memref<128x128xf32, #tpu.memory_space<vmem>>)
    %add3A_91 = arith.constant 0 : i32
    %add3A_92 = arith.addi %mul3A_2, %add3A_91 : i32
    %dma_start3A_93 = arith.constant 0 : i32
    %dma_start3A_94 = arith.constant 0 : i32
    %dma_start3A_95 = tpu.memref_slice %arg9[%dma_start3A_93, %dma_start3A_94] : memref<512x128xf32, #tpu.memory_space<vmem>> -> memref<128x128xf32, #tpu.memory_space<vmem>>
    %dma_start3A_96 = arith.constant 0 : i32
    %dma_start3A_97 = tpu.memref_slice %arg6[%add3A_92, %dma_start3A_96] : memref<16384x128xf32, #tpu.memory_space<hbm>> -> memref<128x128xf32, #tpu.memory_space<hbm>>
    %dma_start3A_98 = arith.constant 0 : i32
    %dma_start3A_99 = tpu.memref_slice %arg6[%add3A_92, %dma_start3A_98] : memref<16384x128xf32, #tpu.memory_space<hbm>> -> memref<128x128xf32, #tpu.memory_space<hbm>>
    %dma_start3A_100 = arith.constant 0 : i32
    %dma_start3A_101 = arith.constant 0 : i32
    %dma_start3A_102 = tpu.memref_slice %arg9[%dma_start3A_100, %dma_start3A_101] : memref<512x128xf32, #tpu.memory_space<vmem>> -> memref<128x128xf32, #tpu.memory_space<vmem>>
    tpu.enqueue_dma source(%dma_start3A_102 : memref<128x128xf32, #tpu.memory_space<vmem>>) target(%dma_start3A_99 : memref<128x128xf32, #tpu.memory_space<hbm>>) target_semaphore(%arg12 : memref<!tpu.dma_semaphore, #tpu.memory_space<semaphore_mem>>)
    %dma_wait3A_103 = arith.constant 2 : i32
    %dma_wait3A_104 = arith.constant 256 : i32
    %dma_wait3A_105 = arith.constant 0 : i32
    %dma_wait3A_106 = tpu.memref_slice %arg9[%dma_wait3A_104, %dma_wait3A_105] : memref<512x128xf32, #tpu.memory_space<vmem>> -> memref<128x128xf32, #tpu.memory_space<vmem>>
    %dma_wait3A_107 = arith.constant 0 : i32
    %dma_wait3A_108 = tpu.memref_slice %arg7[%dma_wait3A_103, %dma_wait3A_107] : memref<4x128xi32, #tpu.memory_space<vmem>> -> memref<1x128xi32, #tpu.memory_space<vmem>>
    %dma_wait3A_109 = tpu.memref_squeeze %dma_wait3A_108 : memref<1x128xi32, #tpu.memory_space<vmem>> -> memref<128xi32, #tpu.memory_space<vmem>>
    %dma_wait3A_110 = arith.constant 0 : i32
    %dma_wait3A_111 = arith.constant 0 : i32
    %dma_wait3A_112 = tpu.memref_slice %arg2[%dma_wait3A_110, %dma_wait3A_111] : memref<100000x128xf32, #tpu.memory_space<hbm>> -> memref<100000x128xf32, #tpu.memory_space<hbm>>
    tpu.wait_indirect_dma semaphore(%arg10 : memref<!tpu.dma_semaphore, #tpu.memory_space<semaphore_mem>>) src(%dma_wait3A_112 : memref<100000x128xf32, #tpu.memory_space<hbm>>) dst(%dma_wait3A_106 : memref<128x128xf32, #tpu.memory_space<vmem>>)
    %dma_start3A_113 = arith.constant 2 : i32
    %dma_start3A_114 = arith.constant 256 : i32
    %dma_start3A_115 = arith.constant 0 : i32
    %dma_start3A_116 = tpu.memref_slice %arg9[%dma_start3A_114, %dma_start3A_115] : memref<512x128xf32, #tpu.memory_space<vmem>> -> memref<128x128xf32, #tpu.memory_space<vmem>>
    %dma_start3A_117 = arith.constant 0 : i32
    %dma_start3A_118 = tpu.memref_slice %arg8[%dma_start3A_113, %dma_start3A_117] : memref<4x128xi32, #tpu.memory_space<vmem>> -> memref<1x128xi32, #tpu.memory_space<vmem>>
    %dma_start3A_119 = tpu.memref_squeeze %dma_start3A_118 : memref<1x128xi32, #tpu.memory_space<vmem>> -> memref<128xi32, #tpu.memory_space<vmem>>
    %dma_start3A_120 = arith.constant 0 : i32
    %dma_start3A_121 = arith.constant 0 : i32
    %dma_start3A_122 = tpu.memref_slice %arg3[%dma_start3A_120, %dma_start3A_121] : memref<1000x128xf32, #tpu.memory_space<hbm>> -> memref<1000x128xf32, #tpu.memory_space<hbm>>
    tpu.enqueue_indirect_dma source(%dma_start3A_122 : memref<1000x128xf32, #tpu.memory_space<hbm>>) target(%dma_start3A_116 : memref<128x128xf32, #tpu.memory_space<vmem>>) offsets(%dma_start3A_119 : memref<128xi32, #tpu.memory_space<vmem>>) semaphore(%arg11 : memref<!tpu.dma_semaphore, #tpu.memory_space<semaphore_mem>>) {add = true}
    %dma_wait3A_123 = arith.constant 1 : i32
    %dma_wait3A_124 = arith.constant 128 : i32
    %dma_wait3A_125 = arith.constant 0 : i32
    %dma_wait3A_126 = tpu.memref_slice %arg9[%dma_wait3A_124, %dma_wait3A_125] : memref<512x128xf32, #tpu.memory_space<vmem>> -> memref<128x128xf32, #tpu.memory_space<vmem>>
    %dma_wait3A_127 = arith.constant 0 : i32
    %dma_wait3A_128 = tpu.memref_slice %arg8[%dma_wait3A_123, %dma_wait3A_127] : memref<4x128xi32, #tpu.memory_space<vmem>> -> memref<1x128xi32, #tpu.memory_space<vmem>>
    %dma_wait3A_129 = tpu.memref_squeeze %dma_wait3A_128 : memref<1x128xi32, #tpu.memory_space<vmem>> -> memref<128xi32, #tpu.memory_space<vmem>>
    %dma_wait3A_130 = arith.constant 0 : i32
    %dma_wait3A_131 = arith.constant 0 : i32
    %dma_wait3A_132 = tpu.memref_slice %arg3[%dma_wait3A_130, %dma_wait3A_131] : memref<1000x128xf32, #tpu.memory_space<hbm>> -> memref<1000x128xf32, #tpu.memory_space<hbm>>
    tpu.wait_indirect_dma semaphore(%arg11 : memref<!tpu.dma_semaphore, #tpu.memory_space<semaphore_mem>>) src(%dma_wait3A_132 : memref<1000x128xf32, #tpu.memory_space<hbm>>) dst(%dma_wait3A_126 : memref<128x128xf32, #tpu.memory_space<vmem>>)
    %add3A_133 = arith.constant 128 : i32
    %add3A_134 = arith.addi %mul3A_2, %add3A_133 : i32
    %dma_start3A_135 = arith.constant 128 : i32
    %dma_start3A_136 = arith.constant 0 : i32
    %dma_start3A_137 = tpu.memref_slice %arg9[%dma_start3A_135, %dma_start3A_136] : memref<512x128xf32, #tpu.memory_space<vmem>> -> memref<128x128xf32, #tpu.memory_space<vmem>>
    %dma_start3A_138 = arith.constant 0 : i32
    %dma_start3A_139 = tpu.memref_slice %arg6[%add3A_134, %dma_start3A_138] : memref<16384x128xf32, #tpu.memory_space<hbm>> -> memref<128x128xf32, #tpu.memory_space<hbm>>
    %dma_start3A_140 = arith.constant 0 : i32
    %dma_start3A_141 = tpu.memref_slice %arg6[%add3A_134, %dma_start3A_140] : memref<16384x128xf32, #tpu.memory_space<hbm>> -> memref<128x128xf32, #tpu.memory_space<hbm>>
    %dma_start3A_142 = arith.constant 128 : i32
    %dma_start3A_143 = arith.constant 0 : i32
    %dma_start3A_144 = tpu.memref_slice %arg9[%dma_start3A_142, %dma_start3A_143] : memref<512x128xf32, #tpu.memory_space<vmem>> -> memref<128x128xf32, #tpu.memory_space<vmem>>
    tpu.enqueue_dma source(%dma_start3A_144 : memref<128x128xf32, #tpu.memory_space<vmem>>) target(%dma_start3A_141 : memref<128x128xf32, #tpu.memory_space<hbm>>) target_semaphore(%arg12 : memref<!tpu.dma_semaphore, #tpu.memory_space<semaphore_mem>>)
    %dma_wait3A_145 = arith.constant 3 : i32
    %dma_wait3A_146 = arith.constant 384 : i32
    %dma_wait3A_147 = arith.constant 0 : i32
    %dma_wait3A_148 = tpu.memref_slice %arg9[%dma_wait3A_146, %dma_wait3A_147] : memref<512x128xf32, #tpu.memory_space<vmem>> -> memref<128x128xf32, #tpu.memory_space<vmem>>
    %dma_wait3A_149 = arith.constant 0 : i32
    %dma_wait3A_150 = tpu.memref_slice %arg7[%dma_wait3A_145, %dma_wait3A_149] : memref<4x128xi32, #tpu.memory_space<vmem>> -> memref<1x128xi32, #tpu.memory_space<vmem>>
    %dma_wait3A_151 = tpu.memref_squeeze %dma_wait3A_150 : memref<1x128xi32, #tpu.memory_space<vmem>> -> memref<128xi32, #tpu.memory_space<vmem>>
    %dma_wait3A_152 = arith.constant 0 : i32
    %dma_wait3A_153 = arith.constant 0 : i32
    %dma_wait3A_154 = tpu.memref_slice %arg2[%dma_wait3A_152, %dma_wait3A_153] : memref<100000x128xf32, #tpu.memory_space<hbm>> -> memref<100000x128xf32, #tpu.memory_space<hbm>>
    tpu.wait_indirect_dma semaphore(%arg10 : memref<!tpu.dma_semaphore, #tpu.memory_space<semaphore_mem>>) src(%dma_wait3A_154 : memref<100000x128xf32, #tpu.memory_space<hbm>>) dst(%dma_wait3A_148 : memref<128x128xf32, #tpu.memory_space<vmem>>)
    %dma_start3A_155 = arith.constant 3 : i32
    %dma_start3A_156 = arith.constant 384 : i32
    %dma_start3A_157 = arith.constant 0 : i32
    %dma_start3A_158 = tpu.memref_slice %arg9[%dma_start3A_156, %dma_start3A_157] : memref<512x128xf32, #tpu.memory_space<vmem>> -> memref<128x128xf32, #tpu.memory_space<vmem>>
    %dma_start3A_159 = arith.constant 0 : i32
    %dma_start3A_160 = tpu.memref_slice %arg8[%dma_start3A_155, %dma_start3A_159] : memref<4x128xi32, #tpu.memory_space<vmem>> -> memref<1x128xi32, #tpu.memory_space<vmem>>
    %dma_start3A_161 = tpu.memref_squeeze %dma_start3A_160 : memref<1x128xi32, #tpu.memory_space<vmem>> -> memref<128xi32, #tpu.memory_space<vmem>>
    %dma_start3A_162 = arith.constant 0 : i32
    %dma_start3A_163 = arith.constant 0 : i32
    %dma_start3A_164 = tpu.memref_slice %arg3[%dma_start3A_162, %dma_start3A_163] : memref<1000x128xf32, #tpu.memory_space<hbm>> -> memref<1000x128xf32, #tpu.memory_space<hbm>>
    tpu.enqueue_indirect_dma source(%dma_start3A_164 : memref<1000x128xf32, #tpu.memory_space<hbm>>) target(%dma_start3A_158 : memref<128x128xf32, #tpu.memory_space<vmem>>) offsets(%dma_start3A_161 : memref<128xi32, #tpu.memory_space<vmem>>) semaphore(%arg11 : memref<!tpu.dma_semaphore, #tpu.memory_space<semaphore_mem>>) {add = true}
    %dma_wait3A_165 = arith.constant 2 : i32
    %dma_wait3A_166 = arith.constant 256 : i32
    %dma_wait3A_167 = arith.constant 0 : i32
    %dma_wait3A_168 = tpu.memref_slice %arg9[%dma_wait3A_166, %dma_wait3A_167] : memref<512x128xf32, #tpu.memory_space<vmem>> -> memref<128x128xf32, #tpu.memory_space<vmem>>
    %dma_wait3A_169 = arith.constant 0 : i32
    %dma_wait3A_170 = tpu.memref_slice %arg8[%dma_wait3A_165, %dma_wait3A_169] : memref<4x128xi32, #tpu.memory_space<vmem>> -> memref<1x128xi32, #tpu.memory_space<vmem>>
    %dma_wait3A_171 = tpu.memref_squeeze %dma_wait3A_170 : memref<1x128xi32, #tpu.memory_space<vmem>> -> memref<128xi32, #tpu.memory_space<vmem>>
    %dma_wait3A_172 = arith.constant 0 : i32
    %dma_wait3A_173 = arith.constant 0 : i32
    %dma_wait3A_174 = tpu.memref_slice %arg3[%dma_wait3A_172, %dma_wait3A_173] : memref<1000x128xf32, #tpu.memory_space<hbm>> -> memref<1000x128xf32, #tpu.memory_space<hbm>>
    tpu.wait_indirect_dma semaphore(%arg11 : memref<!tpu.dma_semaphore, #tpu.memory_space<semaphore_mem>>) src(%dma_wait3A_174 : memref<1000x128xf32, #tpu.memory_space<hbm>>) dst(%dma_wait3A_168 : memref<128x128xf32, #tpu.memory_space<vmem>>)
    %add3A_175 = arith.constant 256 : i32
    %add3A_176 = arith.addi %mul3A_2, %add3A_175 : i32
    %dma_start3A_177 = arith.constant 256 : i32
    %dma_start3A_178 = arith.constant 0 : i32
    %dma_start3A_179 = tpu.memref_slice %arg9[%dma_start3A_177, %dma_start3A_178] : memref<512x128xf32, #tpu.memory_space<vmem>> -> memref<128x128xf32, #tpu.memory_space<vmem>>
    %dma_start3A_180 = arith.constant 0 : i32
    %dma_start3A_181 = tpu.memref_slice %arg6[%add3A_176, %dma_start3A_180] : memref<16384x128xf32, #tpu.memory_space<hbm>> -> memref<128x128xf32, #tpu.memory_space<hbm>>
    %dma_start3A_182 = arith.constant 0 : i32
    %dma_start3A_183 = tpu.memref_slice %arg6[%add3A_176, %dma_start3A_182] : memref<16384x128xf32, #tpu.memory_space<hbm>> -> memref<128x128xf32, #tpu.memory_space<hbm>>
    %dma_start3A_184 = arith.constant 256 : i32
    %dma_start3A_185 = arith.constant 0 : i32
    %dma_start3A_186 = tpu.memref_slice %arg9[%dma_start3A_184, %dma_start3A_185] : memref<512x128xf32, #tpu.memory_space<vmem>> -> memref<128x128xf32, #tpu.memory_space<vmem>>
    tpu.enqueue_dma source(%dma_start3A_186 : memref<128x128xf32, #tpu.memory_space<vmem>>) target(%dma_start3A_183 : memref<128x128xf32, #tpu.memory_space<hbm>>) target_semaphore(%arg12 : memref<!tpu.dma_semaphore, #tpu.memory_space<semaphore_mem>>)
    %dma_wait3A_187 = arith.constant 3 : i32
    %dma_wait3A_188 = arith.constant 384 : i32
    %dma_wait3A_189 = arith.constant 0 : i32
    %dma_wait3A_190 = tpu.memref_slice %arg9[%dma_wait3A_188, %dma_wait3A_189] : memref<512x128xf32, #tpu.memory_space<vmem>> -> memref<128x128xf32, #tpu.memory_space<vmem>>
    %dma_wait3A_191 = arith.constant 0 : i32
    %dma_wait3A_192 = tpu.memref_slice %arg8[%dma_wait3A_187, %dma_wait3A_191] : memref<4x128xi32, #tpu.memory_space<vmem>> -> memref<1x128xi32, #tpu.memory_space<vmem>>
    %dma_wait3A_193 = tpu.memref_squeeze %dma_wait3A_192 : memref<1x128xi32, #tpu.memory_space<vmem>> -> memref<128xi32, #tpu.memory_space<vmem>>
    %dma_wait3A_194 = arith.constant 0 : i32
    %dma_wait3A_195 = arith.constant 0 : i32
    %dma_wait3A_196 = tpu.memref_slice %arg3[%dma_wait3A_194, %dma_wait3A_195] : memref<1000x128xf32, #tpu.memory_space<hbm>> -> memref<1000x128xf32, #tpu.memory_space<hbm>>
    tpu.wait_indirect_dma semaphore(%arg11 : memref<!tpu.dma_semaphore, #tpu.memory_space<semaphore_mem>>) src(%dma_wait3A_196 : memref<1000x128xf32, #tpu.memory_space<hbm>>) dst(%dma_wait3A_190 : memref<128x128xf32, #tpu.memory_space<vmem>>)
    %add3A_197 = arith.constant 384 : i32
    %add3A_198 = arith.addi %mul3A_2, %add3A_197 : i32
    %dma_start3A_199 = arith.constant 384 : i32
    %dma_start3A_200 = arith.constant 0 : i32
    %dma_start3A_201 = tpu.memref_slice %arg9[%dma_start3A_199, %dma_start3A_200] : memref<512x128xf32, #tpu.memory_space<vmem>> -> memref<128x128xf32, #tpu.memory_space<vmem>>
    %dma_start3A_202 = arith.constant 0 : i32
    %dma_start3A_203 = tpu.memref_slice %arg6[%add3A_198, %dma_start3A_202] : memref<16384x128xf32, #tpu.memory_space<hbm>> -> memref<128x128xf32, #tpu.memory_space<hbm>>
    %dma_start3A_204 = arith.constant 0 : i32
    %dma_start3A_205 = tpu.memref_slice %arg6[%add3A_198, %dma_start3A_204] : memref<16384x128xf32, #tpu.memory_space<hbm>> -> memref<128x128xf32, #tpu.memory_space<hbm>>
    %dma_start3A_206 = arith.constant 384 : i32
    %dma_start3A_207 = arith.constant 0 : i32
    %dma_start3A_208 = tpu.memref_slice %arg9[%dma_start3A_206, %dma_start3A_207] : memref<512x128xf32, #tpu.memory_space<vmem>> -> memref<128x128xf32, #tpu.memory_space<vmem>>
    tpu.enqueue_dma source(%dma_start3A_208 : memref<128x128xf32, #tpu.memory_space<vmem>>) target(%dma_start3A_205 : memref<128x128xf32, #tpu.memory_space<hbm>>) target_semaphore(%arg12 : memref<!tpu.dma_semaphore, #tpu.memory_space<semaphore_mem>>)
    %dma_wait3A_209 = arith.constant 0 : i32
    %dma_wait3A_210 = arith.constant 0 : i32
    %dma_wait3A_211 = tpu.memref_slice %arg9[%dma_wait3A_209, %dma_wait3A_210] : memref<512x128xf32, #tpu.memory_space<vmem>> -> memref<128x128xf32, #tpu.memory_space<vmem>>
    %dma_wait3A_212 = arith.constant 0 : i32
    %dma_wait3A_213 = tpu.memref_slice %arg6[%add3A_92, %dma_wait3A_212] : memref<16384x128xf32, #tpu.memory_space<hbm>> -> memref<128x128xf32, #tpu.memory_space<hbm>>
    %dma_wait3A_214 = arith.constant 0 : i32
    %dma_wait3A_215 = tpu.memref_slice %arg6[%add3A_92, %dma_wait3A_214] : memref<16384x128xf32, #tpu.memory_space<hbm>> -> memref<128x128xf32, #tpu.memory_space<hbm>>
    %dma_wait3A_216 = arith.constant 0 : i32
    %dma_wait3A_217 = arith.constant 0 : i32
    %dma_wait3A_218 = tpu.memref_slice %arg9[%dma_wait3A_216, %dma_wait3A_217] : memref<512x128xf32, #tpu.memory_space<vmem>> -> memref<128x128xf32, #tpu.memory_space<vmem>>
    tpu.wait_dma2 semaphore(%arg12 : memref<!tpu.dma_semaphore, #tpu.memory_space<semaphore_mem>>) src(%dma_wait3A_218 : memref<128x128xf32, #tpu.memory_space<vmem>>) dst(%dma_wait3A_215 : memref<128x128xf32, #tpu.memory_space<hbm>>)
    %dma_wait3A_219 = arith.constant 128 : i32
    %dma_wait3A_220 = arith.constant 0 : i32
    %dma_wait3A_221 = tpu.memref_slice %arg9[%dma_wait3A_219, %dma_wait3A_220] : memref<512x128xf32, #tpu.memory_space<vmem>> -> memref<128x128xf32, #tpu.memory_space<vmem>>
    %dma_wait3A_222 = arith.constant 0 : i32
    %dma_wait3A_223 = tpu.memref_slice %arg6[%add3A_134, %dma_wait3A_222] : memref<16384x128xf32, #tpu.memory_space<hbm>> -> memref<128x128xf32, #tpu.memory_space<hbm>>
    %dma_wait3A_224 = arith.constant 0 : i32
    %dma_wait3A_225 = tpu.memref_slice %arg6[%add3A_134, %dma_wait3A_224] : memref<16384x128xf32, #tpu.memory_space<hbm>> -> memref<128x128xf32, #tpu.memory_space<hbm>>
    %dma_wait3A_226 = arith.constant 128 : i32
    %dma_wait3A_227 = arith.constant 0 : i32
    %dma_wait3A_228 = tpu.memref_slice %arg9[%dma_wait3A_226, %dma_wait3A_227] : memref<512x128xf32, #tpu.memory_space<vmem>> -> memref<128x128xf32, #tpu.memory_space<vmem>>
    tpu.wait_dma2 semaphore(%arg12 : memref<!tpu.dma_semaphore, #tpu.memory_space<semaphore_mem>>) src(%dma_wait3A_228 : memref<128x128xf32, #tpu.memory_space<vmem>>) dst(%dma_wait3A_225 : memref<128x128xf32, #tpu.memory_space<hbm>>)
    %dma_wait3A_229 = arith.constant 256 : i32
    %dma_wait3A_230 = arith.constant 0 : i32
    %dma_wait3A_231 = tpu.memref_slice %arg9[%dma_wait3A_229, %dma_wait3A_230] : memref<512x128xf32, #tpu.memory_space<vmem>> -> memref<128x128xf32, #tpu.memory_space<vmem>>
    %dma_wait3A_232 = arith.constant 0 : i32
    %dma_wait3A_233 = tpu.memref_slice %arg6[%add3A_176, %dma_wait3A_232] : memref<16384x128xf32, #tpu.memory_space<hbm>> -> memref<128x128xf32, #tpu.memory_space<hbm>>
    %dma_wait3A_234 = arith.constant 0 : i32
    %dma_wait3A_235 = tpu.memref_slice %arg6[%add3A_176, %dma_wait3A_234] : memref<16384x128xf32, #tpu.memory_space<hbm>> -> memref<128x128xf32, #tpu.memory_space<hbm>>
    %dma_wait3A_236 = arith.constant 256 : i32
    %dma_wait3A_237 = arith.constant 0 : i32
    %dma_wait3A_238 = tpu.memref_slice %arg9[%dma_wait3A_236, %dma_wait3A_237] : memref<512x128xf32, #tpu.memory_space<vmem>> -> memref<128x128xf32, #tpu.memory_space<vmem>>
    tpu.wait_dma2 semaphore(%arg12 : memref<!tpu.dma_semaphore, #tpu.memory_space<semaphore_mem>>) src(%dma_wait3A_238 : memref<128x128xf32, #tpu.memory_space<vmem>>) dst(%dma_wait3A_235 : memref<128x128xf32, #tpu.memory_space<hbm>>)
    %dma_wait3A_239 = arith.constant 384 : i32
    %dma_wait3A_240 = arith.constant 0 : i32
    %dma_wait3A_241 = tpu.memref_slice %arg9[%dma_wait3A_239, %dma_wait3A_240] : memref<512x128xf32, #tpu.memory_space<vmem>> -> memref<128x128xf32, #tpu.memory_space<vmem>>
    %dma_wait3A_242 = arith.constant 0 : i32
    %dma_wait3A_243 = tpu.memref_slice %arg6[%add3A_198, %dma_wait3A_242] : memref<16384x128xf32, #tpu.memory_space<hbm>> -> memref<128x128xf32, #tpu.memory_space<hbm>>
    %dma_wait3A_244 = arith.constant 0 : i32
    %dma_wait3A_245 = tpu.memref_slice %arg6[%add3A_198, %dma_wait3A_244] : memref<16384x128xf32, #tpu.memory_space<hbm>> -> memref<128x128xf32, #tpu.memory_space<hbm>>
    %dma_wait3A_246 = arith.constant 384 : i32
    %dma_wait3A_247 = arith.constant 0 : i32
    %dma_wait3A_248 = tpu.memref_slice %arg9[%dma_wait3A_246, %dma_wait3A_247] : memref<512x128xf32, #tpu.memory_space<vmem>> -> memref<128x128xf32, #tpu.memory_space<vmem>>
    tpu.wait_dma2 semaphore(%arg12 : memref<!tpu.dma_semaphore, #tpu.memory_space<semaphore_mem>>) src(%dma_wait3A_248 : memref<128x128xf32, #tpu.memory_space<vmem>>) dst(%dma_wait3A_245 : memref<128x128xf32, #tpu.memory_space<hbm>>)
    return
  }
}

module attributes {stable_mosaic.version = 14 : i64} {
  func.func @_pd_body(%arg0: memref<64x1000xf32, #tpu.memory_space<vmem>>, %arg1: memref<64x128xf32, #tpu.memory_space<vmem>>, %arg2: memref<1x128xf32, #tpu.memory_space<vmem>>, %arg3: memref<1000x128xf32, #tpu.memory_space<vmem>>) attributes {dimension_semantics = [], scalar_prefetch = 0 : i64, scratch_operands = 0 : i64, tpu.core_type = #tpu.core_type<tc>} {
    %get3A = arith.constant 0 : index
    %get3A_0 = arith.constant 0 : index
    %get3A_1 = vector.load %arg0[%get3A, %get3A_0] : memref<64x1000xf32, #tpu.memory_space<vmem>>, vector<64x1000xf32>
    %get3A_2 = arith.constant 0 : index
    %get3A_3 = arith.constant 0 : index
    %get3A_4 = vector.load %arg1[%get3A_2, %get3A_3] : memref<64x128xf32, #tpu.memory_space<vmem>>, vector<64x128xf32>
    %dot_general3A = arith.constant dense<0.000000e+00> : vector<1000x128xf32>
    %dot_general3A_5 = tpu.matmul %get3A_1, %get3A_4, %dot_general3A {dimension_numbers = #tpu.dot_dimension_numbers<[0], [0], [1], [1], [0, 1, 1, 1], [], []>, transpose_lhs_hint = false} : vector<64x1000xf32>, vector<64x128xf32>, vector<1000x128xf32> -> vector<1000x128xf32>
    %get3A_6 = arith.constant 0 : index
    %get3A_7 = arith.constant 0 : index
    %get3A_8 = vector.load %arg2[%get3A_6, %get3A_7] : memref<1x128xf32, #tpu.memory_space<vmem>>, vector<1x128xf32>
    %add3A = vector.broadcast %get3A_8 : vector<1x128xf32> to vector<1000x128xf32>
    %add3A_9 = arith.addf %dot_general3A_5, %add3A : vector<1000x128xf32>
    %swap3A = arith.constant 0 : index
    %swap3A_10 = arith.constant 0 : index
    %swap3A_11 = vector.load %arg3[%swap3A, %swap3A_10] : memref<1000x128xf32, #tpu.memory_space<vmem>>, vector<1000x128xf32>
    tpu.vector_store %arg3[%swap3A, %swap3A_10], %add3A_9 {strides = array<i32>} : memref<1000x128xf32, #tpu.memory_space<vmem>>, vector<1000x128xf32>,
    return
  }
}

module attributes {stable_mosaic.version = 14 : i64} {
  func.func @_pg_body(%arg0: i32, %arg1: memref<64x8192xf32, #tpu.memory_space<vmem>>, %arg2: memref<64x128xf32, #tpu.memory_space<vmem>>, %arg3: memref<8192x128xf32, #tpu.memory_space<vmem>>) attributes {dimension_semantics = [#tpu.dimension_semantics<arbitrary>], iteration_bounds = array<i64: 13>, scalar_prefetch = 0 : i64, scratch_operands = 0 : i64, tpu.core_type = #tpu.core_type<tc>, window_params = [{transform_indices = @transform_0, window_bounds = array<i64: 64, 8192>}, {pipeline_mode = #tpu.pipeline_mode<synchronous>, transform_indices = @transform_1, window_bounds = array<i64: 64, 128>}, {transform_indices = @transform_2, window_bounds = array<i64: 8192, 128>}]} {
    %get3A = arith.constant 0 : index
    %get3A_0 = arith.constant 0 : index
    %get3A_1 = vector.load %arg1[%get3A, %get3A_0] : memref<64x8192xf32, #tpu.memory_space<vmem>>, vector<64x8192xf32>
    %get3A_2 = arith.constant 0 : index
    %get3A_3 = arith.constant 0 : index
    %get3A_4 = vector.load %arg2[%get3A_2, %get3A_3] : memref<64x128xf32, #tpu.memory_space<vmem>>, vector<64x128xf32>
    %dot_general3A = arith.constant dense<0.000000e+00> : vector<8192x128xf32>
    %dot_general3A_5 = tpu.matmul %get3A_1, %get3A_4, %dot_general3A {dimension_numbers = #tpu.dot_dimension_numbers<[0], [0], [1], [1], [0, 1, 1, 1], [], []>, transpose_lhs_hint = false} : vector<64x8192xf32>, vector<64x128xf32>, vector<8192x128xf32> -> vector<8192x128xf32>
    %swap3A = arith.constant 0 : index
    %swap3A_6 = arith.constant 0 : index
    %swap3A_7 = vector.load %arg3[%swap3A, %swap3A_6] : memref<8192x128xf32, #tpu.memory_space<vmem>>, vector<8192x128xf32>
    tpu.vector_store %arg3[%swap3A, %swap3A_6], %dot_general3A_5 {strides = array<i32>} : memref<8192x128xf32, #tpu.memory_space<vmem>>, vector<8192x128xf32>,
    return
  }
  func.func @transform_0(%arg0: i32) -> (i32, i32) {
    %c0_i32 = arith.constant 0 : i32
    %c0_i32_0 = arith.constant 0 : i32
    return %c0_i32, %arg0 : i32, i32
  }
  func.func @transform_1(%arg0: i32) -> (i32, i32) {
    %c0_i32 = arith.constant 0 : i32
    %c0_i32_0 = arith.constant 0 : i32
    %c0_i32_1 = arith.constant 0 : i32
    return %c0_i32, %c0_i32_0 : i32, i32
  }
  func.func @transform_2(%arg0: i32) -> (i32, i32) {
    %c0_i32 = arith.constant 0 : i32
    %c0_i32_0 = arith.constant 0 : i32
    return %arg0, %c0_i32 : i32, i32
  }
}

module attributes {stable_mosaic.version = 14 : i64} {
  func.func @_mlp_body(%arg0: i32, %arg1: memref<2048x128xf32, #tpu.memory_space<vmem>>, %arg2: memref<2048x128xf32, #tpu.memory_space<vmem>>, %arg3: memref<128x128xf32, #tpu.memory_space<vmem>>, %arg4: memref<1x128xf32, #tpu.memory_space<vmem>>, %arg5: memref<1x128xf32, #tpu.memory_space<vmem>>, %arg6: memref<128x64xf32, #tpu.memory_space<vmem>>, %arg7: memref<1x64xf32, #tpu.memory_space<vmem>>, %arg8: memref<64x1xf32, #tpu.memory_space<vmem>>, %arg9: memref<1x1xf32, #tpu.memory_space<vmem>>, %arg10: memref<2048xf32, #tpu.memory_space<vmem>>, %arg11: memref<16384x128xf32, #tpu.memory_space<vmem>>, %arg12: memref<2x128xf32, #tpu.memory_space<vmem>>) attributes {dimension_semantics = [#tpu.dimension_semantics<arbitrary>], iteration_bounds = array<i64: 16>, scalar_prefetch = 0 : i64, scratch_operands = 2 : i64, tpu.core_type = #tpu.core_type<tc>, window_params = [{transform_indices = @transform_0, window_bounds = array<i64: 2048, 128>}, {transform_indices = @transform_1, window_bounds = array<i64: 2048, 128>}, {pipeline_mode = #tpu.pipeline_mode<synchronous>, transform_indices = @transform_2, window_bounds = array<i64: 128, 128>}, {pipeline_mode = #tpu.pipeline_mode<synchronous>, transform_indices = @transform_3, window_bounds = array<i64: 1, 128>}, {pipeline_mode = #tpu.pipeline_mode<synchronous>, transform_indices = @transform_4, window_bounds = array<i64: 1, 128>}, {pipeline_mode = #tpu.pipeline_mode<synchronous>, transform_indices = @transform_5, window_bounds = array<i64: 128, 64>}, {pipeline_mode = #tpu.pipeline_mode<synchronous>, transform_indices = @transform_6, window_bounds = array<i64: 1, 64>}, {pipeline_mode = #tpu.pipeline_mode<synchronous>, transform_indices = @transform_7, window_bounds = array<i64: 64, 1>}, {pipeline_mode = #tpu.pipeline_mode<synchronous>, transform_indices = @transform_8, window_bounds = array<i64: 1, 1>}, {transform_indices = @transform_9, window_bounds = array<i64: 2048>}]} {
    %jit3A = arith.constant 8 : i32
    %eq3A = arith.constant 0 : i32
    %eq3A_0 = arith.cmpi eq, %jit3A, %eq3A : i32
    %jit3A_1 = arith.constant 1 : i32
    %select_n3A = arith.select %eq3A_0, %jit3A_1, %jit3A : i32
    %rem3A = arith.remsi %arg0, %select_n3A : i32
    %ne3A = arith.constant 0 : i32
    %ne3A_2 = arith.cmpi ne, %rem3A, %ne3A : i32
    %lt3A = arith.constant 0 : i32
    %lt3A_3 = arith.cmpi slt, %rem3A, %lt3A : i32
    %lt3A_4 = arith.constant 0 : i32
    %lt3A_5 = arith.cmpi slt, %select_n3A, %lt3A_4 : i32
    %ne3A_6 = arith.xori %lt3A_3, %lt3A_5 : i1
    %and3A = arith.andi %ne3A_6, %ne3A_2 : i1
    %add3A = arith.addi %rem3A, %select_n3A : i32
    %select_n3A_7 = arith.select %and3A, %add3A, %rem3A : i32
    %lt3A_8 = arith.constant 8 : i32
    %lt3A_9 = arith.cmpi slt, %arg0, %lt3A_8 : i32
    %convert_element_type3A = arith.extui %lt3A_9 : i1 to i32
    %cond3A = arith.constant 0 : i32
    %cond3A_10 = arith.cmpi ne, %convert_element_type3A, %cond3A : i32
    scf.if %cond3A_10 {
      %get3A = arith.constant 0 : index
      %get3A_15 = arith.constant 0 : index
      %get3A_16 = vector.load %arg1[%get3A, %get3A_15] : memref<2048x128xf32, #tpu.memory_space<vmem>>, vector<2048x128xf32>
      %get3A_17 = arith.constant 0 : index
      %get3A_18 = arith.constant 0 : index
      %get3A_19 = vector.load %arg2[%get3A_17, %get3A_18] : memref<2048x128xf32, #tpu.memory_space<vmem>>, vector<2048x128xf32>
      %get3A_20 = arith.constant 0 : index
      %get3A_21 = arith.constant 0 : index
      %get3A_22 = vector.load %arg3[%get3A_20, %get3A_21] : memref<128x128xf32, #tpu.memory_space<vmem>>, vector<128x128xf32>
      %dot_general3A = arith.constant dense<0.000000e+00> : vector<2048x128xf32>
      %dot_general3A_23 = tpu.matmul %get3A_19, %get3A_22, %dot_general3A {dimension_numbers = #tpu.dot_dimension_numbers<[1], [0], [0], [1], [0, 0, 1, 1], [], []>, transpose_lhs_hint = false} : vector<2048x128xf32>, vector<128x128xf32>, vector<2048x128xf32> -> vector<2048x128xf32>
      %add3A_24 = arith.addf %get3A_16, %dot_general3A_23 : vector<2048x128xf32>
      %mul3A = arith.constant 2048 : i32
      %mul3A_25 = arith.muli %select_n3A_7, %mul3A : i32
      %swap3A = arith.index_cast %mul3A_25 : i32 to index
      %swap3A_26 = arith.constant 0 : index
      %swap3A_27 = vector.load %arg11[%swap3A, %swap3A_26] : memref<16384x128xf32, #tpu.memory_space<vmem>>, vector<2048x128xf32>
      tpu.vector_store %arg11[%swap3A, %swap3A_26], %add3A_24 {strides = array<i32>} : memref<16384x128xf32, #tpu.memory_space<vmem>>, vector<2048x128xf32>,
      %reduce_sum3A = arith.constant dense<0.000000e+00> : vector<128xf32>
      %reduce_sum3A_28 = vector.multi_reduction <add>, %add3A_24, %reduce_sum3A [0] : vector<2048x128xf32> to vector<128xf32>
      %broadcast_in_dim3A = vector.shape_cast %reduce_sum3A_28 : vector<128xf32> to vector<1x128xf32>
      %mul3A_29 = arith.mulf %add3A_24, %add3A_24 : vector<2048x128xf32>
      %reduce_sum3A_30 = arith.constant dense<0.000000e+00> : vector<128xf32>
      %reduce_sum3A_31 = vector.multi_reduction <add>, %mul3A_29, %reduce_sum3A_30 [0] : vector<2048x128xf32> to vector<128xf32>
      %broadcast_in_dim3A_32 = vector.shape_cast %reduce_sum3A_31 : vector<128xf32> to vector<1x128xf32>
      %concatenate3A = tpu.concatenate %broadcast_in_dim3A, %broadcast_in_dim3A_32 in 0 : vector<1x128xf32>, vector<1x128xf32> -> vector<2x128xf32>
      %eq3A_33 = arith.constant 0 : i32
      %eq3A_34 = arith.cmpi eq, %arg0, %eq3A_33 : i32
      %convert_element_type3A_35 = arith.extui %eq3A_34 : i1 to i32
      %cond3A_36 = arith.constant 0 : i32
      %cond3A_37 = arith.cmpi ne, %convert_element_type3A_35, %cond3A_36 : i32
      scf.if %cond3A_37 {
        %swap3A_43 = arith.constant 0 : index
        %swap3A_44 = arith.constant 0 : index
        %swap3A_45 = vector.load %arg12[%swap3A_43, %swap3A_44] : memref<2x128xf32, #tpu.memory_space<vmem>>, vector<2x128xf32>
        tpu.vector_store %arg12[%swap3A_43, %swap3A_44], %concatenate3A {strides = array<i32>} : memref<2x128xf32, #tpu.memory_space<vmem>>, vector<2x128xf32>,
      } else {
      }
      %ne3A_38 = arith.constant 0 : i32
      %ne3A_39 = arith.cmpi ne, %arg0, %ne3A_38 : i32
      %convert_element_type3A_40 = arith.extui %ne3A_39 : i1 to i32
      %cond3A_41 = arith.constant 0 : i32
      %cond3A_42 = arith.cmpi ne, %convert_element_type3A_40, %cond3A_41 : i32
      scf.if %cond3A_42 {
        %get3A_43 = arith.constant 0 : index
        %get3A_44 = arith.constant 0 : index
        %get3A_45 = vector.load %arg12[%get3A_43, %get3A_44] : memref<2x128xf32, #tpu.memory_space<vmem>>, vector<2x128xf32>
        %add3A_46 = arith.addf %get3A_45, %concatenate3A : vector<2x128xf32>
        %swap3A_47 = arith.constant 0 : index
        %swap3A_48 = arith.constant 0 : index
        %swap3A_49 = vector.load %arg12[%swap3A_47, %swap3A_48] : memref<2x128xf32, #tpu.memory_space<vmem>>, vector<2x128xf32>
        tpu.vector_store %arg12[%swap3A_47, %swap3A_48], %add3A_46 {strides = array<i32>} : memref<2x128xf32, #tpu.memory_space<vmem>>, vector<2x128xf32>,
      } else {
      }
    } else {
    }
    %ge3A = arith.constant 8 : i32
    %ge3A_11 = arith.cmpi sge, %arg0, %ge3A : i32
    %convert_element_type3A_12 = arith.extui %ge3A_11 : i1 to i32
    %cond3A_13 = arith.constant 0 : i32
    %cond3A_14 = arith.cmpi ne, %convert_element_type3A_12, %cond3A_13 : i32
    scf.if %cond3A_14 {
      %get3A = arith.constant 0 : index
      %get3A_15 = arith.constant 0 : index
      %get3A_16 = vector.load %arg12[%get3A, %get3A_15] : memref<2x128xf32, #tpu.memory_space<vmem>>, vector<1x128xf32>
      %mul3A = arith.constant 6.10351563E-5 : f32
      %mul3A_17 = vector.broadcast %mul3A : f32 to vector<1x128xf32>
      %mul3A_18 = arith.mulf %get3A_16, %mul3A_17 : vector<1x128xf32>
      %get3A_19 = arith.constant 1 : index
      %get3A_20 = arith.constant 0 : index
      %get3A_21 = vector.load %arg12[%get3A_19, %get3A_20] : memref<2x128xf32, #tpu.memory_space<vmem>>, vector<1x128xf32>
      %mul3A_22 = arith.constant 6.10351563E-5 : f32
      %mul3A_23 = vector.broadcast %mul3A_22 : f32 to vector<1x128xf32>
      %mul3A_24 = arith.mulf %get3A_21, %mul3A_23 : vector<1x128xf32>
      %mul3A_25 = arith.mulf %mul3A_18, %mul3A_18 : vector<1x128xf32>
      %sub3A = arith.subf %mul3A_24, %mul3A_25 : vector<1x128xf32>
      %add3A_26 = arith.constant 9.99999974E-6 : f32
      %add3A_27 = vector.broadcast %add3A_26 : f32 to vector<1x128xf32>
      %add3A_28 = arith.addf %sub3A, %add3A_27 : vector<1x128xf32>
      %rsqrt3A = math.rsqrt %add3A_28 : vector<1x128xf32>
      %get3A_29 = arith.constant 0 : index
      %get3A_30 = arith.constant 0 : index
      %get3A_31 = vector.load %arg4[%get3A_29, %get3A_30] : memref<1x128xf32, #tpu.memory_space<vmem>>, vector<1x128xf32>
      %mul3A_32 = arith.mulf %rsqrt3A, %get3A_31 : vector<1x128xf32>
      %get3A_33 = arith.constant 0 : index
      %get3A_34 = arith.constant 0 : index
      %get3A_35 = vector.load %arg5[%get3A_33, %get3A_34] : memref<1x128xf32, #tpu.memory_space<vmem>>, vector<1x128xf32>
      %mul3A_36 = arith.mulf %mul3A_18, %mul3A_32 : vector<1x128xf32>
      %sub3A_37 = arith.subf %get3A_35, %mul3A_36 : vector<1x128xf32>
      %mul3A_38 = arith.constant 2048 : i32
      %mul3A_39 = arith.muli %select_n3A_7, %mul3A_38 : i32
      %get3A_40 = arith.index_cast %mul3A_39 : i32 to index
      %get3A_41 = arith.constant 0 : index
      %get3A_42 = vector.load %arg11[%get3A_40, %get3A_41] : memref<16384x128xf32, #tpu.memory_space<vmem>>, vector<2048x128xf32>
      %mul3A_43 = vector.broadcast %mul3A_32 : vector<1x128xf32> to vector<2048x128xf32>
      %mul3A_44 = arith.mulf %get3A_42, %mul3A_43 : vector<2048x128xf32>
      %add3A_45 = vector.broadcast %sub3A_37 : vector<1x128xf32> to vector<2048x128xf32>
      %add3A_46 = arith.addf %mul3A_44, %add3A_45 : vector<2048x128xf32>
      %max3A = arith.constant 0.000000e+00 : f32
      %max3A_47 = vector.broadcast %max3A : f32 to vector<2048x128xf32>
      %max3A_48 = arith.maximumf %add3A_46, %max3A_47 : vector<2048x128xf32>
      %get3A_49 = arith.constant 0 : index
      %get3A_50 = arith.constant 0 : index
      %get3A_51 = vector.load %arg6[%get3A_49, %get3A_50] : memref<128x64xf32, #tpu.memory_space<vmem>>, vector<128x64xf32>
      %dot_general3A = arith.constant dense<0.000000e+00> : vector<2048x64xf32>
      %dot_general3A_52 = tpu.matmul %max3A_48, %get3A_51, %dot_general3A {dimension_numbers = #tpu.dot_dimension_numbers<[1], [0], [0], [1], [0, 0, 1, 1], [], []>, transpose_lhs_hint = false} : vector<2048x128xf32>, vector<128x64xf32>, vector<2048x64xf32> -> vector<2048x64xf32>
      %get3A_53 = arith.constant 0 : index
      %get3A_54 = arith.constant 0 : index
      %get3A_55 = vector.load %arg7[%get3A_53, %get3A_54] : memref<1x64xf32, #tpu.memory_space<vmem>>, vector<1x64xf32>
      %add3A_56 = vector.broadcast %get3A_55 : vector<1x64xf32> to vector<2048x64xf32>
      %add3A_57 = arith.addf %dot_general3A_52, %add3A_56 : vector<2048x64xf32>
      %max3A_58 = arith.constant 0.000000e+00 : f32
      %max3A_59 = vector.broadcast %max3A_58 : f32 to vector<2048x64xf32>
      %max3A_60 = arith.maximumf %add3A_57, %max3A_59 : vector<2048x64xf32>
      %get3A_61 = arith.constant 0 : index
      %get3A_62 = arith.constant 0 : index
      %get3A_63 = vector.load %arg8[%get3A_61, %get3A_62] : memref<64x1xf32, #tpu.memory_space<vmem>>, vector<64x1xf32>
      %dot_general3A_64 = arith.constant dense<0.000000e+00> : vector<2048x1xf32>
      %dot_general3A_65 = tpu.matmul %max3A_60, %get3A_63, %dot_general3A_64 {dimension_numbers = #tpu.dot_dimension_numbers<[1], [0], [0], [1], [0, 0, 1, 1], [], []>, transpose_lhs_hint = false} : vector<2048x64xf32>, vector<64x1xf32>, vector<2048x1xf32> -> vector<2048x1xf32>
      %get3A_66 = arith.constant 0 : index
      %get3A_67 = arith.constant 0 : index
      %get3A_68 = vector.load %arg9[%get3A_66, %get3A_67] : memref<1x1xf32, #tpu.memory_space<vmem>>, vector<1x1xf32>
      %add3A_69 = vector.broadcast %get3A_68 : vector<1x1xf32> to vector<2048x1xf32>
      %add3A_70 = arith.addf %dot_general3A_65, %add3A_69 : vector<2048x1xf32>
      %logistic3A = arith.negf %add3A_70 : vector<2048x1xf32>
      %logistic3A_71 = math.exp %logistic3A : vector<2048x1xf32>
      %logistic3A_72 = arith.constant 1.000000e+00 : f32
      %logistic3A_73 = vector.broadcast %logistic3A_72 : f32 to vector<2048x1xf32>
      %logistic3A_74 = arith.addf %logistic3A_73, %logistic3A_71 : vector<2048x1xf32>
      %logistic3A_75 = arith.divf %logistic3A_73, %logistic3A_74 : vector<2048x1xf32>
      %reshape3A = vector.shape_cast %logistic3A_75 : vector<2048x1xf32> to vector<2048xf32>
      %swap3A = arith.constant 0 : index
      %swap3A_76 = vector.load %arg10[%swap3A] : memref<2048xf32, #tpu.memory_space<vmem>>, vector<2048xf32>
      tpu.vector_store %arg10[%swap3A], %reshape3A {strides = array<i32>} : memref<2048xf32, #tpu.memory_space<vmem>>, vector<2048xf32>,
    } else {
    }
    return
  }
  func.func @transform_0(%arg0: i32) -> (i32, i32) {
    %lt3A = arith.constant 8 : i32
    %lt3A_0 = arith.cmpi slt, %arg0, %lt3A : i32
    %jit3A = arith.constant 0 : i32
    %select_n3A = arith.select %lt3A_0, %arg0, %jit3A : i32
    %c0_i32 = arith.constant 0 : i32
    %c0_i32_1 = arith.constant 0 : i32
    return %select_n3A, %c0_i32 : i32, i32
  }
  func.func @transform_1(%arg0: i32) -> (i32, i32) {
    %lt3A = arith.constant 8 : i32
    %lt3A_0 = arith.cmpi slt, %arg0, %lt3A : i32
    %jit3A = arith.constant 0 : i32
    %select_n3A = arith.select %lt3A_0, %arg0, %jit3A : i32
    %c0_i32 = arith.constant 0 : i32
    %c0_i32_1 = arith.constant 0 : i32
    return %select_n3A, %c0_i32 : i32, i32
  }
  func.func @transform_2(%arg0: i32) -> (i32, i32) {
    %c0_i32 = arith.constant 0 : i32
    %c0_i32_0 = arith.constant 0 : i32
    %c0_i32_1 = arith.constant 0 : i32
    return %c0_i32, %c0_i32_0 : i32, i32
  }
  func.func @transform_3(%arg0: i32) -> (i32, i32) {
    %c0_i32 = arith.constant 0 : i32
    %c0_i32_0 = arith.constant 0 : i32
    %c0_i32_1 = arith.constant 0 : i32
    return %c0_i32, %c0_i32_0 : i32, i32
  }
  func.func @transform_4(%arg0: i32) -> (i32, i32) {
    %c0_i32 = arith.constant 0 : i32
    %c0_i32_0 = arith.constant 0 : i32
    %c0_i32_1 = arith.constant 0 : i32
    return %c0_i32, %c0_i32_0 : i32, i32
  }
  func.func @transform_5(%arg0: i32) -> (i32, i32) {
    %c0_i32 = arith.constant 0 : i32
    %c0_i32_0 = arith.constant 0 : i32
    %c0_i32_1 = arith.constant 0 : i32
    return %c0_i32, %c0_i32_0 : i32, i32
  }
  func.func @transform_6(%arg0: i32) -> (i32, i32) {
    %c0_i32 = arith.constant 0 : i32
    %c0_i32_0 = arith.constant 0 : i32
    %c0_i32_1 = arith.constant 0 : i32
    return %c0_i32, %c0_i32_0 : i32, i32
  }
  func.func @transform_7(%arg0: i32) -> (i32, i32) {
    %c0_i32 = arith.constant 0 : i32
    %c0_i32_0 = arith.constant 0 : i32
    %c0_i32_1 = arith.constant 0 : i32
    return %c0_i32, %c0_i32_0 : i32, i32
  }
  func.func @transform_8(%arg0: i32) -> (i32, i32) {
    %c0_i32 = arith.constant 0 : i32
    %c0_i32_0 = arith.constant 0 : i32
    %c0_i32_1 = arith.constant 0 : i32
    return %c0_i32, %c0_i32_0 : i32, i32
  }
  func.func @transform_9(%arg0: i32) -> i32 {
    %jit3A = arith.constant 8 : i32
    %eq3A = arith.constant 0 : i32
    %eq3A_0 = arith.cmpi eq, %jit3A, %eq3A : i32
    %jit3A_1 = arith.constant 1 : i32
    %select_n3A = arith.select %eq3A_0, %jit3A_1, %jit3A : i32
    %rem3A = arith.remsi %arg0, %select_n3A : i32
    %ne3A = arith.constant 0 : i32
    %ne3A_2 = arith.cmpi ne, %rem3A, %ne3A : i32
    %lt3A = arith.constant 0 : i32
    %lt3A_3 = arith.cmpi slt, %rem3A, %lt3A : i32
    %lt3A_4 = arith.constant 0 : i32
    %lt3A_5 = arith.cmpi slt, %select_n3A, %lt3A_4 : i32
    %ne3A_6 = arith.xori %lt3A_3, %lt3A_5 : i1
    %and3A = arith.andi %ne3A_6, %ne3A_2 : i1
    %add3A = arith.addi %rem3A, %select_n3A : i32
    %select_n3A_7 = arith.select %and3A, %add3A, %rem3A : i32
    %c0_i32 = arith.constant 0 : i32
    return %select_n3A_7 : i32
  }
}

</mosaic_0001>

<sc_bundles>
// kernel: kernel.6.cloned.1.call-start
scs
__scs_entry_jumppad:
0x0: {  	(pc) =	sbr.rel $0x88, $3  }
0x1: {  	(tag) =	ssettag $0x0;
	lr =	simm.s32 $0x1  }
0x2: {  	[smem:$0x3F94] =	sst lr;
	_ =	strace $0xD0000000  }
0x3: {  	_ = 	snop  }
0x4: {  	_ = 	snop  }
0x5: {  	_ = 	snop  }
0x6: {  	_ = 	snop  }
0x7: {  	_ = 	snop  }
__scs_overlays_trampoline_lowered:
0x8: {  	[smem:$0x3FA3] =	sst s0  }
0x9: {  	[smem:$0x3FA4] =	sst s1  }
0xa: {  	[smem:$0x3FA5] =	sst s2  }
0xb: {  	[smem:$0x3FA6] =	sst s3  }
0xc: {  	[smem:$0x3FA7] =	sst s4  }
0xd: {  	[smem:$0x3FA8] =	sst s5  }
0xe: {  	[smem:$0x3FA9] =	sst s6  }
0xf: {  	[smem:$0x3FAA] =	sst s7  }
0x10: {  	[smem:$0x3FAB] =	sst s8  }
0x11: {  	[smem:$0x3FAC] =	sst s9;
	s0 =	simm.s32 @!p0 $0x0  }
0x12: {  	s1 =	sld [smem:$0x3F92];
	s0 =	simm.s32 @p0 $0x1  }
0x13: {  	[smem:$0x3FAD] =	sst s0;
	s0 =	simm.s32 @!p1 $0x0  }
0x14: {  	s2 =	sld [smem:$0x3F91];
	s0 =	simm.s32 @p1 $0x1  }
0x15: {  	[smem:$0x3FAE] =	sst s0;
	s0 =	simm.s32 @!p2 $0x0  }
0x16: {  	s3 =	sld [smem:$0x3FDB];
	s0 =	simm.s32 @p2 $0x1  }
0x17: {  	s4 =	simm.s32 $0x1BF5;
	[smem:$0x3FB0] =	sst s0  }
0x18: {  	s0 =	sld [smem:$0x3F93];
	_ =	swait.ge [sflag:s4], $0x0  }
0x19: {  	s7 =	sld [smem:$0x3F94]  }
0x1a: {  	s8 =	sadd.s32 $0xFFFFE003, lr  }
0x1b: {  	s9 =	sadd.s32 $0xFFFFFEF7, lr;
	s5 =	simm.s32 $0xFFFFFFFF;
	p2 =	slt.u32 s8, $0xFFFFF086  }
0x1c: {  	p1 =	slt.u32 s9, $0xF7A;
	s5 =	simm.s32 @!p2 $0x0  }
0x1d: {  	s5 =	simm.s32 @p1 $0x1;
	p0 =	seq.s32 s7, s2  }
0x1e: {  	s7 =	smul.u32 @!p0 $0xF7A, s2;
	p2 =	seq.s32 @!p0 s5, $0x0  }
0x1f: {  	s9 =	smul.u32 $0xF7A, s1;
	s8 =	simm.s32 @!p0 $0x1BF5;
	p2 =	por !p2, p0  }
0x20: {  	[sflag:s8] =	ssyncset.s32 @!p0 $0xFFFFF086;
	s6 =	sadd.s32 @!p0 s3, s7;
	s7 =	simm.s32 @!p0 $0x108  }
0x21: {  	s3 =	sadd.s32 s3, s9;
	s6 =	sadd.s32 @!p0 $0x88, s6;
	s7 =	simm.s32 @p2 $0x1082  }
0x22: {  	[simem:s7], [sflag:s8] =	dma.local @!p0 [hbm:s6], $0xF7A  }
0x23: {  	s9 =	sor.u32 $0xD0000000, s2;
	s6 =	simm.s32 $0x108;
	_ =	swait.ge @!p0 [sflag:s8], $0x0  }
0x24: {  	s3 =	sadd.s32 $0x88, s3;
	s6 =	simm.s32 @!p1 $0x1082;
	[sflag:s4] =	ssyncset.s32 $0xFFFFF086  }
0x25: {  	[simem:s6], [sflag:s4] =	dma.local [hbm:s3], $0xF7A  }
0x26: {  	[smem:$0x3F94] =	sst s1;
	(tag) =	ssettag s2;
	_ =	strace s9  }
0x27: {  	s1 =	sld [smem:$0x3FA4]  }
0x28: {  	s2 =	sld [smem:$0x3FA5]  }
0x29: {  	s4 =	sld [smem:$0x3FA7]  }
0x2a: {  	p0 =	seq.s32 s5, $0x0;
	s5 =	sld [smem:$0x3FA8]  }
0x2b: {  	s6 =	sld [smem:$0x3FA9]  }
0x2c: {  	s7 =	sld [smem:$0x3FAA]  }
0x2d: {  	s3 =	simm.s32 $0x108;
	s8 =	sld [smem:$0x3FAB]  }
0x2e: {  	s3 =	simm.s32 @!p0 $0x1082;
	s9 =	sld [smem:$0x3FAC]  }
0x2f: {  	lr =	sadd.s32 s0, s3;
	s0 =	sld [smem:$0x3FA3]  }
0x30: {  	s3 =	sld [smem:$0x3FA6]  }
0x31: {  	[smem:$0x3FAF] =	sst s10  }
0x32: {  	s10 =	sld [smem:$0x3FAD];
	_ =	sdelay $0x3  }
0x33: {  	p0 =	seq.s32 s10, $0x1;
	s10 =	sld [smem:$0x3FAF];
	_ =	sdelay $0x3  }
0x34: {  	[smem:$0x3FAF] =	sst s10  }
0x35: {  	s10 =	sld [smem:$0x3FAE];
	_ =	sdelay $0x3  }
0x36: {  	p1 =	seq.s32 s10, $0x1;
	s10 =	sld [smem:$0x3FAF];
	_ =	sdelay $0x3  }
0x37: {  	[smem:$0x3FAF] =	sst s10  }
0x38: {  	s10 =	sld [smem:$0x3FB0]  }
0x39: {  	_ = 	snop;
	(pc) =	sbr.ind lr, $3  }
0x3a: {  	_ = 	snop  }
0x3b: {  	_ = 	snop  }
0x3c: {  	p2 =	seq.s32 s10, $0x1;
	s10 =	sld [smem:$0x3FAF]  }
0x3d: {  	_ =	shalt  }
0x3e: {  	_ =	shalt  }
0x3f: {  	_ =	shalt  }
0x40: {  	_ =	shalt  }
0x41: {  	_ =	shalt  }
0x42: {  	_ =	shalt  }
0x43: {  	_ =	shalt  }
0x44: {  	_ =	shalt  }
0x45: {  	_ =	shalt  }
0x46: {  	_ =	shalt  }
0x47: {  	_ =	shalt  }
0x48: {  	_ =	shalt  }
0x49: {  	_ =	shalt  }
0x4a: {  	_ =	shalt  }
0x4b: {  	_ =	shalt  }
0x4c: {  	_ =	shalt  }
0x4d: {  	_ =	shalt  }
0x4e: {  	_ =	shalt  }
0x4f: {  	_ =	shalt  }
0x50: {  	_ =	shalt  }
0x51: {  	_ =	shalt  }
0x52: {  	_ =	shalt  }
0x53: {  	_ =	shalt  }
0x54: {  	_ =	shalt  }
0x55: {  	_ =	shalt  }
0x56: {  	_ =	shalt  }
0x57: {  	_ =	shalt  }
0x58: {  	_ =	shalt  }
0x59: {  	_ =	shalt  }
0x5a: {  	_ =	shalt  }
0x5b: {  	_ =	shalt  }
0x5c: {  	_ =	shalt  }
0x5d: {  	_ =	shalt  }
0x5e: {  	_ =	shalt  }
0x5f: {  	_ =	shalt  }
0x60: {  	_ =	shalt  }
0x61: {  	_ =	shalt  }
0x62: {  	_ =	shalt  }
0x63: {  	_ =	shalt  }
0x64: {  	_ =	shalt  }
0x65: {  	_ =	shalt  }
0x66: {  	_ =	shalt  }
0x67: {  	_ =	shalt  }
0x68: {  	_ =	shalt  }
0x69: {  	_ =	shalt  }
0x6a: {  	_ =	shalt  }
0x6b: {  	_ =	shalt  }
0x6c: {  	_ =	shalt  }
0x6d: {  	_ =	shalt  }
0x6e: {  	_ =	shalt  }
0x6f: {  	_ =	shalt  }
0x70: {  	_ =	shalt  }
0x71: {  	_ =	shalt  }
0x72: {  	_ =	shalt  }
0x73: {  	_ =	shalt  }
0x74: {  	_ =	shalt  }
0x75: {  	_ =	shalt  }
0x76: {  	_ =	shalt  }
0x77: {  	_ =	shalt  }
0x78: {  	_ =	shalt  }
0x79: {  	_ =	shalt  }
0x7a: {  	_ =	shalt  }
0x7b: {  	_ =	shalt  }
0x7c: {  	_ =	shalt  }
0x7d: {  	_ =	shalt  }
0x7e: {  	_ =	shalt  }
0x7f: {  	_ =	shalt  }
0x80: {  	_ =	shalt  }
0x81: {  	_ =	shalt  }
0x82: {  	_ =	shalt  }
0x83: {  	_ =	shalt  }
0x84: {  	_ =	shalt  }
0x85: {  	_ =	shalt  }
0x86: {  	_ =	shalt  }
0x87: {  	_ =	shalt  }
.Lfunc_end0:
.L_simem_size_0:
called_computation_lowered:
.L_overlay_start_0:
0x88: {  	s2 =	sld [smem:$0x3FD9]  }
0x89: {  	s3 =	sld [smem:$0x3FFE];
	_ =	sdelay $0x1  }
0x8a: {  	s1 =	srdreg.scid  }
0x8b: {  	s0 =	sand.u32 $0x1, s1  }
0x8c: {  	s17 =	sshll.u32 s0, $0xA;
	s2 =	sadd.s32 s3, s2  }
0x8d: {  	s2 =	sadd.s32 s2, s17  }
0x8e: {  	[smem:$0x3FBB] =	sst s2  }
0x8f: {  	_ = 	snop  }
0x90: {  	s2 =	sld [smem:$0x3FC9]  }
0x91: {  	s18 =	sld [smem:$0x3FC8];
	(tm) =	ssettm $0x1  }
0x92: {  	s4 =	sld [smem:$0x3FFB];
	_ =	sdelay $0x3  }
0x93: {  	_ =	strace s4  }
0x94: {  	s4 =	sld [smem:$0x3FFC];
	_ =	sdelay $0x3  }
0x95: {  	_ =	strace s4  }
0x96: {  	s4 =	sld [smem:$0x3FFD];
	_ =	sdelay $0x3  }
0x97: {  	_ =	strace s4  }
0x98: {  	_ =	strace $0x8FFFFFFF  }
0x99: {  	s19 =	sld [smem:$0x3FDB];
	_ =	sdelay $0x1  }
0x9a: {  	s5 =	simm.s32 $_scs_section_size  }
0x9b: {  	s6 =	simm.s32 $_size__tile_overlayer_lowered;
	s7 =	simm.s32 $_tile_overlayer_lowered  }
0x9c: {  	s22 =	simm.s32 $0x1BFF;
	s21 =	sshll.u32 s7, $0x1;
	s4 =	sadd.s32 s5, s19  }
0x9d: {  	s8 =	simm.s32 $0x0;
	s20 =	sshll.u32 s6, $0x1;
	s6 =	sadd.s32 s21, s4  }
0x9e: {  	[timem:s8], [sflag:s22] =	dma.local [hbm:s6], s20  }
0x9f: {  	_ =	swait.ge [sflag:s22], s20  }
0xa0: {  	s5 =	ssub.s32 $0x0, s20;
	[sflag:s22] =	ssyncset.done $0x0  }
0xa1: {  	[sflag:s22] =	ssyncadd.s32 s5;
	_ =	sdelay $0x1  }
0xa2: {  	s23 =	simm.s32 $0x1B8B  }
0xa3: {  	_ =	swait.ge [sflag:s23], $0x1  }
0xa4: {  	[sflag:s23] =	ssyncset.done $0x0  }
0xa5: {  	s25 =	simm.s32 $0x1B8E;
	s24 =	sld [smem:$0x3FFE];
	[sflag:s23] =	ssyncadd.s32 $0xFFFFFFFF  }
0xa6: {  	s26 =	simm.s32 $execute0_lowered;
	[smem:$0x3FD2] =	sst s25  }
0xa7: {  	s6 =	sshll.u32 s26, $0x1;
	_ =	strace $0x80000046;
	[dreg:$0x1] =	wrdreg $0xFFFFFFFF  }
0xa8: {  	s28 =	simm.s32 $_size_execute0_lowered;
	s4 =	sadd.s32 s4, s6;
	[dreg:$0x0] =	wrdreg $0x0  }
0xa9: {  	s6 =	sshll.u32 s28, $0x1;
	[dreg:$0x2] =	wrdreg s4  }
0xaa: {  	[dreg:$0x3] =	wrdreg s6  }
0xab: {  	[dreg:$0x4] =	wrdreg $0xC0  }
0xac: {  	_ =	task [dreg:s8], $0x5FFFF  }
0xad: {  	[dreg:$0x1] =	wrdreg $0xFFFFFFFF  }
0xae: {  	[dreg:$0x0] =	wrdreg $0x60  }
0xaf: {  	[dreg:$0x2] =	wrdreg s24  }
0xb0: {  	[dreg:$0x3] =	wrdreg s2  }
0xb1: {  	[dreg:$0x4] =	wrdreg s18  }
0xb2: {  	[dreg:$0x5] =	wrdreg $0x9  }
0xb3: {  	_ =	task.clear_ibuf [dreg:s8], $0x6FFFF;
	_ =	strace $0x90000046  }
0xb4: {  	s29 =	simm.s32 $0x9;
	_ =	strace $0x80000048  }
0xb5: {  	_ =	swait.ge [sflag:s29], $0x1  }
0xb6: {  	[sflag:s29] =	ssyncadd.s32 $0xFFFFFFFF  }
0xb7: {  	_ =	strace $0x90000048  }
0xb8: {  	_ =	sfence  }
0xb9: {  	s30 =	sld [smem:$0x0];
	_ =	sdelay $0x2  }
0xba: {  	s31 =	sshll.u32 s1, $0xD;
	s1 =	sshrl.u32 s1, $0x2  }
0xbb: {  	s3 =	sand.u32 $0x4000, s31;
	s1 =	sadd.s32 s1, s30  }
0xbc: {  	s0 =	sor.u32 s3, s0;
	s1 =	sshll.u32 s1, $0x11  }
0xbd: {  	s0 =	sor.u32 s1, s0  }
0xbe: {  	s0 =	sadd.s32 $0x8F2B, s0  }
0xbf: {  	[sflag:s0] =	ssyncadd.remote.s32 $0x1  }
0xc0: {  	_ =	sfence.sel $0xFFFF  }
0xc1: {  	[dreg:$0x0] =	wrdreg $0xFFFFFFFF;
	(pc) =	sbr.abs _section_cstart, $3  }
0xc2: {  	[dreg:$0x1] =	wrdreg $0xFFFFFFFF  }
0xc3: {  	_ =	task.clear_ibuf [dreg:s8], $0x2FFFF;
	_ =	strace $0x9FFFFFFF  }
0xc4: {  	(tm) =	ssettm $0x7FFFFFFF  }
0xc5: {  	_ =	shalt  }
tec
execute0_lowered:
.L_overlay_start_1:
0x0: {  	(tag) =	ssettag $0x1  }
0x1: {  	s19 =	rddreg [dreg:$0x0];
	s1 =	srdreg.scid  }
0x2: {  	s3 =	rddreg [dreg:$0x1];
	s0 =	stileid.u32;
	s26 =	sand.u32 $0x1, s1  }
0x3: {  	s5 =	rddreg [dreg:$0x2];
	s4 =	sshll.u32 s0, $0xA;
	s6 =	sshll.u32 s26, $0x9  }
0x4: {  	s2 =	simm.s32 $0x0;
	s1 =	rddreg [dreg:$0x3];
	s20 =	sor.u32 s6, s4  }
0x5: {  	[smem:$0x7FF] =	sst s2;
	s6 =	sshrl.u32 s20, $0x3  }
0x6: {  	_ =	strace $0x80000047;
	s4 =	simm.s32 $0x4;
	s3 =	sadd.s32 s3, s6  }
0x7: {  	[tilespmem:s2], [sflag:$0x4] =	stream.linear.gather [hbm4b:s3+s2], $0x200, $0x38;
	[tilespmem:$0x10400] =	vst v63  }
0x8: {  	_ =	swait.ge [sflag:s4], $0x200  }
0x9: {  	[sflag:s4] =	ssyncset.done $0x0  }
0xa: {  	s5 =	sadd.s32 s5, s6;
	s6 =	simm.s32 $0x200;
	[sflag:s4] =	ssyncadd.s32 $0xFFFFFE00  }
0xb: {  	[tilespmem:s6], [sflag:$0x4] =	stream.linear.gather [hbm4b:s5+s2], $0x200, $0x38;
	[tilespmem:$0x10400] =	vst v63  }
0xc: {  	_ =	swait.ge [sflag:s4], $0x200  }
0xd: {  	s8 =	simm.s32 $0x80;
	[sflag:s4] =	ssyncset.done $0x0  }
0xe: {  	s9 =	simm.s32 $0x400;
	s7 =	sadd.s32 $0x2200, s19;
	[sflag:s4] =	ssyncadd.s32 $0xFFFFFE00  }
0xf: {  	[tilespmem:s9], [sflag:$0x1] =	stream.indirect.gather [hbm4b:s7+s8], $0x80, s2, s8, $0xb8;
	[tilespmem:$0x10400] =	vst v63  }
0x10: {  	s10 =	simm.s32 $0x4400  }
0x11: {  	[tilespmem:s10], [sflag:$0x1] =	stream.indirect.gather [hbm4b:s7+s8], $0x80, s8, s8, $0xb8;
	[tilespmem:$0x10400] =	vst v63  }
0x12: {  	s11 =	simm.s32 $0x100;
	s12 =	simm.s32 $0x8400  }
0x13: {  	[tilespmem:s12], [sflag:$0x1] =	stream.indirect.gather [hbm4b:s7+s8], $0x80, s11, s8, $0xb8;
	[tilespmem:$0x10400] =	vst v63  }
0x14: {  	s13 =	simm.s32 $0x180;
	s14 =	simm.s32 $0xC400;
	s15 =	simm.s32 $0x1  }
0x15: {  	[tilespmem:s14], [sflag:$0x1] =	stream.indirect.gather [hbm4b:s7+s8], $0x80, s13, s8, $0xb8;
	[tilespmem:$0x10400] =	vst v63  }
0x16: {  	_ =	swait.ge [sflag:s15], $0x4000  }
0x17: {  	[sflag:s15] =	ssyncset.done $0x0  }
0x18: {  	s16 =	sadd.s32 $0x188C00, s19;
	[sflag:s15] =	ssyncadd.s32 $0xFFFFC000  }
0x19: {  	[tilespmem:s9], [sflag:$0x2] =	stream.indirect.gather.add.f32 [hbm:s16], $0x80, s6, s8, $0xb8;
	[tilespmem:$0x10400] =	vst v63  }
0x1a: {  	_ =	swait.ge [sflag:s15], $0x4000  }
0x1b: {  	[sflag:s15] =	ssyncset.done $0x0  }
0x1c: {  	s17 =	simm.s32 $0x280;
	s18 =	simm.s32 $0x2;
	[sflag:s15] =	ssyncadd.s32 $0xFFFFC000  }
0x1d: {  	[tilespmem:s10], [sflag:$0x2] =	stream.indirect.gather.add.f32 [hbm:s16], $0x80, s17, s8, $0xb8;
	[tilespmem:$0x10400] =	vst v63  }
0x1e: {  	s20 =	sshll.u32 s20, $0x4;
	_ =	swait.ge [sflag:s18], $0x4000  }
0x1f: {  	s24 =	sadd.s32 s20, s19;
	[sflag:s18] =	ssyncset.done $0x0  }
0x20: {  	s19 =	sadd.s32 $0x18CC00, s24;
	[sflag:s18] =	ssyncadd.s32 $0xFFFFC000  }
0x21: {  	[hbm4b:s19+s2] =	stream.linear.scatter [tilespmem:s9], [sflag:$0x3], $0x4000, $0x38;
	[tilespmem:$0x10400] =	vst v63  }
0x22: {  	_ =	swait.ge [sflag:s15], $0x4000  }
0x23: {  	[sflag:s15] =	ssyncset.done $0x0  }
0x24: {  	s20 =	simm.s32 $0x300;
	[sflag:s15] =	ssyncadd.s32 $0xFFFFC000  }
0x25: {  	[tilespmem:s12], [sflag:$0x2] =	stream.indirect.gather.add.f32 [hbm:s16], $0x80, s20, s8, $0xb8;
	[tilespmem:$0x10400] =	vst v63  }
0x26: {  	_ =	swait.ge [sflag:s18], $0x4000  }
0x27: {  	[sflag:s18] =	ssyncset.done $0x0  }
0x28: {  	s21 =	sadd.s32 $0x18D400, s24;
	[sflag:s18] =	ssyncadd.s32 $0xFFFFC000  }
0x29: {  	[hbm4b:s21+s2] =	stream.linear.scatter [tilespmem:s10], [sflag:$0x3], $0x4000, $0x38;
	[tilespmem:$0x10400] =	vst v63  }
0x2a: {  	_ =	swait.ge [sflag:s15], $0x4000  }
0x2b: {  	[sflag:s15] =	ssyncset.done $0x0  }
0x2c: {  	s22 =	simm.s32 $0x380;
	[sflag:s15] =	ssyncadd.s32 $0xFFFFC000  }
0x2d: {  	[tilespmem:s14], [sflag:$0x2] =	stream.indirect.gather.add.f32 [hbm:s16], $0x80, s22, s8, $0xb8;
	[tilespmem:$0x10400] =	vst v63  }
0x2e: {  	_ =	swait.ge [sflag:s18], $0x4000  }
0x2f: {  	[sflag:s18] =	ssyncset.done $0x0  }
0x30: {  	s23 =	sadd.s32 $0x18DC00, s24;
	[sflag:s18] =	ssyncadd.s32 $0xFFFFC000  }
0x31: {  	[hbm4b:s23+s2] =	stream.linear.scatter [tilespmem:s12], [sflag:$0x3], $0x4000, $0x38;
	[tilespmem:$0x10400] =	vst v63  }
0x32: {  	_ =	swait.ge [sflag:s18], $0x4000  }
0x33: {  	[sflag:s18] =	ssyncset.done $0x0  }
0x34: {  	s25 =	simm.s32 $0x3;
	s24 =	sadd.s32 $0x18E400, s24;
	[sflag:s18] =	ssyncadd.s32 $0xFFFFC000  }
0x35: {  	[hbm4b:s24+s2] =	stream.linear.scatter [tilespmem:s14], [sflag:$0x3], $0x4000, $0x38;
	[tilespmem:$0x10400] =	vst v63  }
0x36: {  	_ =	swait.ge [sflag:s25], $0x4000  }
0x37: {  	s26 =	ssub.s32 $0x2, s26;
	[sflag:s25] =	ssyncset.done $0x0  }
0x38: {  	s28 =	sshrl.u32 s26, $0x1;
	[sflag:s25] =	ssyncadd.s32 $0xFFFFC000  }
0x39: {  	s26 =	ssub.s32 s26, s28;
	_ =	swait.ge [sflag:s25], $0x4000  }
0x3a: {  	s26 =	smax.u32 s26, $0x1;
	[sflag:s25] =	ssyncset.done $0x0  }
0x3b: {  	p0 =	sne.s32 s26, $0x1;
	[sflag:s25] =	ssyncadd.s32 $0xFFFFC000  }
.Ltmp0:
0x3c: {  	_ =	swait.ge [sflag:s25], $0x4000;
	(pc) =	sbr.rel @!p0 .LBB2_2-.Ltmp0, $4  }
0x3d: {  	[sflag:s25] =	ssyncset.done $0x0  }
0x3e: {  	[sflag:s25] =	ssyncadd.s32 $0xFFFFC000  }
0x3f: {  	_ =	swait.ge [sflag:s25], $0x4000  }
0x40: {  	s26 =	sadd.s32 $0xFFFFFFFF, s26;
	[sflag:s25] =	ssyncset.done $0x0  }
.LBB2_1:
0x41: {  	p0 =	sne.s32 s26, $0x1;
	s26 =	sadd.s32 $0xFFFFFFFF, s26;
	[sflag:s25] =	ssyncadd.s32 $0xFFFFC000  }
0x42: {  	[tilespmem:s2], [sflag:$0x4] =	stream.linear.gather [hbm4b:s3+s2], $0x200, $0x38;
	[tilespmem:$0x10400] =	vst v63  }
0x43: {  	_ =	swait.ge [sflag:s4], $0x200  }
0x44: {  	[sflag:s4] =	ssyncset.done $0x0  }
0x45: {  	[sflag:s4] =	ssyncadd.s32 $0xFFFFFE00  }
0x46: {  	[tilespmem:s6], [sflag:$0x4] =	stream.linear.gather [hbm4b:s5+s2], $0x200, $0x38;
	[tilespmem:$0x10400] =	vst v63  }
0x47: {  	_ =	swait.ge [sflag:s4], $0x200  }
0x48: {  	[sflag:s4] =	ssyncset.done $0x0  }
0x49: {  	[sflag:s4] =	ssyncadd.s32 $0xFFFFFE00  }
0x4a: {  	[tilespmem:s9], [sflag:$0x1] =	stream.indirect.gather [hbm4b:s7+s8], $0x80, s2, s8, $0xb8;
	[tilespmem:$0x10400] =	vst v63  }
0x4b: {  	_ = 	snop  }
0x4c: {  	[tilespmem:s10], [sflag:$0x1] =	stream.indirect.gather [hbm4b:s7+s8], $0x80, s8, s8, $0xb8;
	[tilespmem:$0x10400] =	vst v63  }
0x4d: {  	_ = 	snop  }
0x4e: {  	[tilespmem:s12], [sflag:$0x1] =	stream.indirect.gather [hbm4b:s7+s8], $0x80, s11, s8, $0xb8;
	[tilespmem:$0x10400] =	vst v63  }
0x4f: {  	_ = 	snop  }
0x50: {  	[tilespmem:s14], [sflag:$0x1] =	stream.indirect.gather [hbm4b:s7+s8], $0x80, s13, s8, $0xb8;
	[tilespmem:$0x10400] =	vst v63  }
0x51: {  	_ =	swait.ge [sflag:s15], $0x4000  }
0x52: {  	[sflag:s15] =	ssyncset.done $0x0  }
0x53: {  	[sflag:s15] =	ssyncadd.s32 $0xFFFFC000  }
0x54: {  	[tilespmem:s9], [sflag:$0x2] =	stream.indirect.gather.add.f32 [hbm:s16], $0x80, s6, s8, $0xb8;
	[tilespmem:$0x10400] =	vst v63  }
0x55: {  	_ =	swait.ge [sflag:s15], $0x4000  }
0x56: {  	[sflag:s15] =	ssyncset.done $0x0  }
0x57: {  	[sflag:s15] =	ssyncadd.s32 $0xFFFFC000  }
0x58: {  	[tilespmem:s10], [sflag:$0x2] =	stream.indirect.gather.add.f32 [hbm:s16], $0x80, s17, s8, $0xb8;
	[tilespmem:$0x10400] =	vst v63  }
0x59: {  	_ =	swait.ge [sflag:s18], $0x4000  }
0x5a: {  	[sflag:s18] =	ssyncset.done $0x0  }
0x5b: {  	[sflag:s18] =	ssyncadd.s32 $0xFFFFC000  }
0x5c: {  	[hbm4b:s19+s2] =	stream.linear.scatter [tilespmem:s9], [sflag:$0x3], $0x4000, $0x38;
	[tilespmem:$0x10400] =	vst v63  }
0x5d: {  	_ =	swait.ge [sflag:s15], $0x4000  }
0x5e: {  	[sflag:s15] =	ssyncset.done $0x0  }
0x5f: {  	[sflag:s15] =	ssyncadd.s32 $0xFFFFC000  }
0x60: {  	[tilespmem:s12], [sflag:$0x2] =	stream.indirect.gather.add.f32 [hbm:s16], $0x80, s20, s8, $0xb8;
	[tilespmem:$0x10400] =	vst v63  }
0x61: {  	_ =	swait.ge [sflag:s18], $0x4000  }
0x62: {  	[sflag:s18] =	ssyncset.done $0x0  }
0x63: {  	[sflag:s18] =	ssyncadd.s32 $0xFFFFC000  }
0x64: {  	[hbm4b:s21+s2] =	stream.linear.scatter [tilespmem:s10], [sflag:$0x3], $0x4000, $0x38;
	[tilespmem:$0x10400] =	vst v63  }
0x65: {  	_ =	swait.ge [sflag:s15], $0x4000  }
0x66: {  	[sflag:s15] =	ssyncset.done $0x0  }
0x67: {  	[sflag:s15] =	ssyncadd.s32 $0xFFFFC000  }
0x68: {  	[tilespmem:s14], [sflag:$0x2] =	stream.indirect.gather.add.f32 [hbm:s16], $0x80, s22, s8, $0xb8;
	[tilespmem:$0x10400] =	vst v63  }
0x69: {  	_ =	swait.ge [sflag:s18], $0x4000  }
0x6a: {  	[sflag:s18] =	ssyncset.done $0x0  }
0x6b: {  	[sflag:s18] =	ssyncadd.s32 $0xFFFFC000  }
0x6c: {  	[hbm4b:s23+s2] =	stream.linear.scatter [tilespmem:s12], [sflag:$0x3], $0x4000, $0x38;
	[tilespmem:$0x10400] =	vst v63  }
0x6d: {  	_ =	swait.ge [sflag:s18], $0x4000  }
0x6e: {  	[sflag:s18] =	ssyncset.done $0x0  }
0x6f: {  	[sflag:s18] =	ssyncadd.s32 $0xFFFFC000  }
0x70: {  	[hbm4b:s24+s2] =	stream.linear.scatter [tilespmem:s14], [sflag:$0x3], $0x4000, $0x38;
	[tilespmem:$0x10400] =	vst v63  }
0x71: {  	_ =	swait.ge [sflag:s25], $0x4000  }
0x72: {  	[sflag:s25] =	ssyncset.done $0x0  }
0x73: {  	[sflag:s25] =	ssyncadd.s32 $0xFFFFC000  }
0x74: {  	_ =	swait.ge [sflag:s25], $0x4000  }
0x75: {  	[sflag:s25] =	ssyncset.done $0x0  }
0x76: {  	[sflag:s25] =	ssyncadd.s32 $0xFFFFC000  }
.Ltmp1:
0x77: {  	_ =	swait.ge [sflag:s25], $0x4000;
	(pc) =	sbr.rel @p0 .LBB2_1-.Ltmp1, $4  }
0x78: {  	[sflag:s25] =	ssyncset.done $0x0  }
0x79: {  	[sflag:s25] =	ssyncadd.s32 $0xFFFFC000  }
0x7a: {  	_ =	swait.ge [sflag:s25], $0x4000  }
0x7b: {  	[sflag:s25] =	ssyncset.done $0x0  }
.LBB2_2:
0x7c: {  	[sflag:s25] =	ssyncadd.s32 $0xFFFFC000  }
0x7d: {  	_ =	sfence.sel $0x180000  }
0x7e: {  	[bflag:$0x0] =	sbarrier.arrive $0xFFFF  }
0x7f: {  	p0 =	sne.s32 s0, $0x0;
	_ =	strace $0x90000047  }
0x80: {  	s0 =	sadd.s32 @!p0 $0x100000, s1;
	[bflag:$0x2] =	sbarrier.arrive $0xFFFF  }
0x81: {  	[sflag:s0] =	ssyncadd.tile.s32 @!p0 $0x1;
	_ =	shalt  }
.Lfunc_end2:
_tile_overlayer_lowered:
.L_overlay_start_2:
0x82: {  	(tag) =	ssettag $0x2  }
0x83: {  	s0 =	rddreg [dreg:$0x0];
	s2 =	stileid.u32  }
0x84: {  	s1 =	rddreg [dreg:$0x1];
	p0 =	sne.s32 s2, $0x0  }
0x85: {  	s3 =	rddreg [dreg:$0x2];
	[bflag:$0x3] =	sbarrier.arrive $0xFFFF;
	s2 =	simm.s32 @!p0 $0x1C04  }
0x86: {  	[timem:s3], [sflag:s2] =	dma.local @!p0 [hbm:s0], s1  }
0x87: {  	s0 =	simm.s32 @!p0 $0x4  }
0x88: {  	_ =	swait.ge @!p0 [sflag:s0], s1  }
0x89: {  	s1 =	ssub.s32 @!p0 $0x0, s1;
	[sflag:s0] =	ssyncset.done @!p0 $0x0  }
0x8a: {  	[sflag:s0] =	ssyncadd.s32 @!p0 s1  }
0x8b: {  	[bflag:$0x3] =	sbarrier.arrive $0xFFFF  }
0x8c: {  	_ =	shalt  }

</sc_bundles>
